<compile_context>
chip_gen: v7x
topology: tpu7x:2x2x1
jax: 0.10.2.dev20260603
libtpu: 0.0.44.dev20260713+nightly
codegen_flags: <defaults>
</compile_context>

<pallas_src>
import functools

import jax
import jax.numpy as jnp
from jax import lax
from jax.experimental import pallas as pl
from jax.experimental.pallas import tpu as pltpu
from jax.experimental.pallas import tpu_sc as plsc

B = 4096
NFIELDS = 26
VOCAB = 100000
D = 32
NF1 = NFIELDS + 1


def _sc_gather(table_t, idx2):
    info = plsc.get_sparse_core_info()
    nc, ns = info.num_cores, info.num_subcores
    nw = nc * ns
    rows = table_t.shape[0]
    per_w = rows // nw
    ngrp = B // 16
    mesh = plsc.VectorSubcoreMesh(core_axis_name="c", subcore_axis_name="s")

    @functools.partial(
        pl.kernel,
        mesh=mesh,
        out_type=jax.ShapeDtypeStruct((rows, B), jnp.float32),
        scratch_types=[
            pltpu.VMEM((VOCAB,), jnp.float32),
            pltpu.VMEM((B,), jnp.int32),
            pltpu.VMEM((B,), jnp.float32),
            pltpu.VMEM((B,), jnp.float32),
            pltpu.SemaphoreType.DMA,
            pltpu.SemaphoreType.DMA,
        ],
        compiler_params=pltpu.CompilerParams(needs_layout_passes=False),
    )
    def k(table_hbm, idx_hbm, out_hbm, row_v, idx_v, out0, out1, sem0, sem1):
        wid = lax.axis_index("s") * nc + lax.axis_index("c")
        base = wid * per_w

        def gather_to(out_buf):
            def body(t, _):
                o = pl.multiple_of(t * 64, 64)
                for u in range(4):
                    ou = o + u * 16
                    idx16 = idx_v[pl.ds(ou, 16)]
                    out_buf[pl.ds(ou, 16)] = plsc.load_gather(row_v, [idx16])
                return 0

            lax.fori_loop(0, ngrp // 4, body, 0)

        def one(jj, row, out_buf, sem, prev_f):
            f = row // D

            @pl.when(f != prev_f)
            def _():
                pltpu.sync_copy(idx_hbm.at[f], idx_v)

            pltpu.sync_copy(table_hbm.at[row], row_v)

            @pl.when(jj > 0)
            def _():
                pltpu.make_async_copy(out_buf, out_hbm.at[row], sem).wait()

            gather_to(out_buf)
            pltpu.async_copy(out_buf, out_hbm.at[row], sem)
            return f

        def do_pair(jj, prev_f):
            r0 = base + 2 * jj
            f0 = one(jj, r0, out0, sem0, prev_f)
            return one(jj, r0 + 1, out1, sem1, f0)

        lax.fori_loop(0, per_w // 2, do_pair, jnp.int32(-1))
        last = base + per_w - 2
        pltpu.make_async_copy(out0, out_hbm.at[last], sem0).wait()
        pltpu.make_async_copy(out1, out_hbm.at[last + 1], sem1).wait()

    return k(table_t, idx2)


def _tc_body(xt_ref, lyt_ref, bw0, bb0, bw1, bb1, bw2, bb2,
             w0x, w0z, tb0, tw1, tb1, tw2, tb2, out_ref):
    f32 = jnp.float32
    x = xt_ref[...]
    h = jnp.maximum(jnp.dot(bw0[...], x, preferred_element_type=f32) + bb0[...], 0.0)
    h = jnp.maximum(jnp.dot(bw1[...], h, preferred_element_type=f32) + bb1[...], 0.0)
    x3 = jnp.maximum(jnp.dot(bw2[...], h, preferred_element_type=f32) + bb2[...], 0.0)

    bf16 = jnp.bfloat16
    t2 = jnp.concatenate([x3, lyt_ref[...]], axis=0)
    bb = t2.shape[1]
    t3 = t2.reshape(NF1, D, bb).astype(bf16)
    zrows = []
    for i in range(1, NF1):
        zrows.append(jnp.sum(t3[:i] * t3[i][None], axis=1))
    zt = jnp.concatenate(zrows, axis=0)

    a = jnp.dot(w0x[...], x3, preferred_element_type=f32)
    a = a + jnp.dot(w0z[...].astype(bf16), zt, preferred_element_type=f32) + tb0[...]
    a = jnp.maximum(a, 0.0)
    a = jnp.dot(tw1[...].astype(bf16), a.astype(bf16), preferred_element_type=f32)
    a = jnp.maximum(a + tb1[...], 0.0)
    o = jnp.dot(tw2[...], a, preferred_element_type=f32) + tb2[...]
    out_ref[...] = 1.0 / (1.0 + jnp.exp(-o))


def _tc_fused(xt, lyt, bw0, bb0, bw1, bb1, bw2, bb2,
              w0x, w0z, tb0, tw1, tb1, tw2, tb2, block_b=1024):
    nb = B // block_b

    def full(a):
        return pl.BlockSpec(a.shape, lambda b: (0,) * a.ndim)

    weights = (bw0, bb0, bw1, bb1, bw2, bb2, w0x, w0z, tb0, tw1, tb1, tw2, tb2)
    return pl.pallas_call(
        _tc_body,
        grid=(nb,),
        in_specs=[
            pl.BlockSpec((13, block_b), lambda b: (0, b)),
            pl.BlockSpec((NFIELDS * D, block_b), lambda b: (0, b)),
        ] + [full(w) for w in weights],
        out_specs=pl.BlockSpec((1, block_b), lambda b: (0, b)),
        out_shape=jax.ShapeDtypeStruct((1, B), jnp.float32),
    )(xt, lyt, *weights)


def kernel(dense_x, lS_i, emb_tables, bot_w0, bot_b0, bot_w1, bot_b1,
           bot_w2, bot_b2, top_w0, top_b0, top_w1, top_b1, top_w2, top_b2):
    table_t = jnp.transpose(emb_tables, (0, 2, 1)).reshape(NFIELDS * D, VOCAB)

    lyt = _sc_gather(table_t, lS_i.astype(jnp.int32))
    xt = dense_x.T

    w0x = top_w0[:, :D]
    w0z = top_w0[:, D:]

    def col(b):
        return b.reshape(-1, 1)

    out = _tc_fused(xt, lyt, bot_w0, col(bot_b0), bot_w1, col(bot_b1),
                    bot_w2, col(bot_b2), w0x, w0z, col(top_b0),
                    top_w1, col(top_b1), top_w2, col(top_b2))
    return out.reshape(B, 1)

# --- scband reference (transcript-rebuilt; emitter-appended) ---
"""Pipeline reference for scband-dlrm-net-31825707664001 (READ-ONLY COPY).

The authoritative reference and input builder live on the scoring server;
editing this copy changes nothing except your own understanding.
"""

import jax, jax.numpy as jnp
import numpy as np

B = 4096
NDENSE = 13
NFIELDS = 26
VOCAB = 100000
D = 32
LN_BOT = [13, 512, 256, 32]
LN_TOP = [383, 512, 256, 1]


def _mk_mlp(key, ln):
    ws = []
    for i in range(len(ln) - 1):
        n, m = ln[i], ln[i + 1]
        key, k1, k2 = jax.random.split(key, 3)
        w = jax.random.normal(k1, (m, n), dtype=jnp.float32) * np.sqrt(2.0 / (m + n))
        b = jax.random.normal(k2, (m,), dtype=jnp.float32) * np.sqrt(1.0 / m)
        ws.append((w, b))
    return ws


def setup_inputs(seed: int = 0):
    key = jax.random.key(seed)
    ks = jax.random.split(key, 6)
    inp = {}
    inp["dense_x"] = jax.random.normal(ks[0], (B, NDENSE), dtype=jnp.float32)
    inp["lS_i"] = jax.random.randint(ks[1], (NFIELDS, B), 0, VOCAB)
    scale = float(np.sqrt(1.0 / VOCAB))
    inp["emb_tables"] = jax.random.uniform(ks[2], (NFIELDS, VOCAB, D), minval=-scale, maxval=scale, dtype=jnp.float32)
    bot = _mk_mlp(ks[3], LN_BOT)
    top = _mk_mlp(ks[4], LN_TOP)
    for i, (w, b) in enumerate(bot):
        inp["bot_w%d" % i] = w
        inp["bot_b%d" % i] = b
    for i, (w, b) in enumerate(top):
        inp["top_w%d" % i] = w
        inp["top_b%d" % i] = b
    return inp


def reference(dense_x, lS_i, emb_tables, bot_w0, bot_b0, bot_w1, bot_b1, bot_w2, bot_b2, top_w0, top_b0, top_w1, top_b1, top_w2, top_b2):
    # bottom MLP (all ReLU, sigmoid_bot=-1)
    x = dense_x
    for w, b in [(bot_w0, bot_b0), (bot_w1, bot_b1), (bot_w2, bot_b2)]:
        x = jax.nn.relu(x @ w.T + b)
    # embedding lookups: one index per sample per sparse field (sum-pooling over a single index)
    ly = jax.vmap(lambda t, i: jnp.take(t, i, axis=0))(emb_tables, lS_i)  # [F, B, D]
    # dot interaction (arch_interaction_op='dot', itself=False)
    T = jnp.concatenate([x[:, None, :], jnp.transpose(ly, (1, 0, 2))], axis=1)  # [B, F+1, D]
    Z = jnp.einsum('bif,bjf->bij', T, T)
    li, lj = np.tril_indices(NFIELDS + 1, -1)
    Zflat = Z[:, li, lj]  # [B, 351]
    p = jnp.concatenate([x, Zflat], axis=1)  # [B, 383]
    # top MLP with sigmoid on last layer (sigmoid_top=2)
    tops = [(top_w0, top_b0), (top_w1, top_b1), (top_w2, top_b2)]
    for j, (w, b) in enumerate(tops):
        p = p @ w.T + b
        p = jax.nn.sigmoid(p) if j == len(tops) - 1 else jax.nn.relu(p)
    return p

if __name__ == "__main__":
    import jax
    _d = setup_inputs()
    print(jax.jit(kernel)(*tuple(_d.values())))

</pallas_src>

<mosaic_0001>
#map = affine_map<(d0, d1) -> (0, 0)>
module attributes {stable_mosaic.version = 14 : i64} {
  func.func @k(%arg0: i32, %arg1: i32, %arg2: memref<832x100000xf32, #tpu.memory_space<hbm>>, %arg3: memref<26x4096xi32, #tpu.memory_space<hbm>>, %arg4: memref<832x4096xf32, #tpu.memory_space<hbm>>, %arg5: memref<100000xf32, #tpu.memory_space<vmem>>, %arg6: memref<4096xi32, #tpu.memory_space<vmem>>, %arg7: memref<4096xf32, #tpu.memory_space<vmem>>, %arg8: memref<4096xf32, #tpu.memory_space<vmem>>, %arg9: memref<!tpu.dma_semaphore, #tpu.memory_space<semaphore_mem>>, %arg10: memref<!tpu.dma_semaphore, #tpu.memory_space<semaphore_mem>>) attributes {dimension_semantics = [#tpu.dimension_semantics<core_parallel>, #tpu.dimension_semantics<subcore_parallel>], iteration_bounds = array<i64: 2, 16>, scalar_prefetch = 0 : i64, scratch_operands = 6 : i64, tpu.core_type = #tpu.core_type<sc_vector_subcore>, window_params = [{transform_indices = #map}, {transform_indices = #map}, {transform_indices = #map}]} {
    %mul3A = arith.constant 2 : i32
    %mul3A_0 = arith.muli %arg1, %mul3A : i32
    %add3A = arith.addi %mul3A_0, %arg0 : i32
    %mul3A_1 = arith.constant 26 : i32
    %mul3A_2 = arith.muli %add3A, %mul3A_1 : i32
    %scan3A = arith.constant -1 : i32
    %scan3A_3 = arith.constant 0 : i32
    %scan3A_4 = arith.constant 13 : i32
    %scan3A_5 = arith.addi %scan3A_3, %scan3A_4 : i32
    %scan3A_6 = arith.constant 1 : i32
    %scan3A_7 = scf.for %scan3A_25 = %scan3A_3 to %scan3A_5 step %scan3A_6 iter_args(%scan3A_26 = %scan3A) -> (i32)  : i32 {
      %mul3A_27 = arith.constant 2 : i32
      %mul3A_28 = arith.muli %mul3A_27, %scan3A_25 : i32
      %add3A_29 = arith.addi %mul3A_2, %mul3A_28 : i32
      %jit3A = arith.constant 32 : i32
      %div3A = arith.divsi %add3A_29, %jit3A : i32
      %sign3A = arith.constant 0 : i32
      %sign3A_30 = arith.cmpi sgt, %add3A_29, %sign3A : i32
      %sign3A_31 = arith.extui %sign3A_30 : i1 to i32
      %sign3A_32 = arith.constant 0 : i32
      %sign3A_33 = arith.cmpi slt, %add3A_29, %sign3A_32 : i32
      %sign3A_34 = arith.extui %sign3A_33 : i1 to i32
      %sign3A_35 = arith.subi %sign3A_31, %sign3A_34 : i32
      %sign3A_36 = arith.constant 0 : i32
      %sign3A_37 = arith.cmpi sgt, %jit3A, %sign3A_36 : i32
      %sign3A_38 = arith.extui %sign3A_37 : i1 to i32
      %sign3A_39 = arith.constant 0 : i32
      %sign3A_40 = arith.cmpi slt, %jit3A, %sign3A_39 : i32
      %sign3A_41 = arith.extui %sign3A_40 : i1 to i32
      %sign3A_42 = arith.subi %sign3A_38, %sign3A_41 : i32
      %ne3A = arith.cmpi ne, %sign3A_35, %sign3A_42 : i32
      %rem3A = arith.remsi %add3A_29, %jit3A : i32
      %ne3A_43 = arith.constant 0 : i32
      %ne3A_44 = arith.cmpi ne, %rem3A, %ne3A_43 : i32
      %and3A = arith.andi %ne3A, %ne3A_44 : i1
      %sub3A_45 = arith.constant 1 : i32
      %sub3A_46 = arith.subi %div3A, %sub3A_45 : i32
      %select_n3A = arith.select %and3A, %sub3A_46, %div3A : i32
      %ne3A_47 = arith.cmpi ne, %select_n3A, %scan3A_26 : i32
      %convert_element_type3A = arith.extui %ne3A_47 : i1 to i32
      %cond3A = arith.constant 0 : i32
      %cond3A_48 = arith.cmpi ne, %convert_element_type3A, %cond3A : i32
      scf.if %cond3A_48 {
        "tpu.region"() ({
          %run_scoped3A = tpu.sem_alloc : memref<!tpu.dma_semaphore, #tpu.memory_space<semaphore_mem>>
          %dma_start3A_113 = arith.constant 0 : i32
          %dma_start3A_114 = tpu.memref_slice %arg3[%select_n3A, %dma_start3A_113] : memref<26x4096xi32, #tpu.memory_space<hbm>> -> memref<1x4096xi32, #tpu.memory_space<hbm>>
          %dma_start3A_115 = tpu.memref_squeeze %dma_start3A_114 : memref<1x4096xi32, #tpu.memory_space<hbm>> -> memref<4096xi32, #tpu.memory_space<hbm>>
          %dma_start3A_116 = arith.constant 0 : i32
          %dma_start3A_117 = tpu.memref_slice %arg3[%select_n3A, %dma_start3A_116] : memref<26x4096xi32, #tpu.memory_space<hbm>> -> memref<1x4096xi32, #tpu.memory_space<hbm>>
          %dma_start3A_118 = tpu.memref_squeeze %dma_start3A_117 : memref<1x4096xi32, #tpu.memory_space<hbm>> -> memref<4096xi32, #tpu.memory_space<hbm>>
          tpu.enqueue_dma source(%dma_start3A_118 : memref<4096xi32, #tpu.memory_space<hbm>>) target(%arg6 : memref<4096xi32, #tpu.memory_space<vmem>>) target_semaphore(%run_scoped3A : memref<!tpu.dma_semaphore, #tpu.memory_space<semaphore_mem>>)
          %dma_wait3A_119 = arith.constant 0 : i32
          %dma_wait3A_120 = tpu.memref_slice %arg3[%select_n3A, %dma_wait3A_119] : memref<26x4096xi32, #tpu.memory_space<hbm>> -> memref<1x4096xi32, #tpu.memory_space<hbm>>
          %dma_wait3A_121 = tpu.memref_squeeze %dma_wait3A_120 : memref<1x4096xi32, #tpu.memory_space<hbm>> -> memref<4096xi32, #tpu.memory_space<hbm>>
          %dma_wait3A_122 = arith.constant 0 : i32
          %dma_wait3A_123 = tpu.memref_slice %arg3[%select_n3A, %dma_wait3A_122] : memref<26x4096xi32, #tpu.memory_space<hbm>> -> memref<1x4096xi32, #tpu.memory_space<hbm>>
          %dma_wait3A_124 = tpu.memref_squeeze %dma_wait3A_123 : memref<1x4096xi32, #tpu.memory_space<hbm>> -> memref<4096xi32, #tpu.memory_space<hbm>>
          tpu.wait_dma2 semaphore(%run_scoped3A : memref<!tpu.dma_semaphore, #tpu.memory_space<semaphore_mem>>) src(%dma_wait3A_124 : memref<4096xi32, #tpu.memory_space<hbm>>) dst(%arg6 : memref<4096xi32, #tpu.memory_space<vmem>>)
          tpu.yield
        }) : () -> ()
      } else {
      }
      "tpu.region"() ({
        %run_scoped3A = tpu.sem_alloc : memref<!tpu.dma_semaphore, #tpu.memory_space<semaphore_mem>>
        %dma_start3A_113 = arith.constant 0 : i32
        %dma_start3A_114 = tpu.memref_slice %arg2[%add3A_29, %dma_start3A_113] : memref<832x100000xf32, #tpu.memory_space<hbm>> -> memref<1x100000xf32, #tpu.memory_space<hbm>>
        %dma_start3A_115 = tpu.memref_squeeze %dma_start3A_114 : memref<1x100000xf32, #tpu.memory_space<hbm>> -> memref<100000xf32, #tpu.memory_space<hbm>>
        %dma_start3A_116 = arith.constant 0 : i32
        %dma_start3A_117 = tpu.memref_slice %arg2[%add3A_29, %dma_start3A_116] : memref<832x100000xf32, #tpu.memory_space<hbm>> -> memref<1x100000xf32, #tpu.memory_space<hbm>>
        %dma_start3A_118 = tpu.memref_squeeze %dma_start3A_117 : memref<1x100000xf32, #tpu.memory_space<hbm>> -> memref<100000xf32, #tpu.memory_space<hbm>>
        tpu.enqueue_dma source(%dma_start3A_118 : memref<100000xf32, #tpu.memory_space<hbm>>) target(%arg5 : memref<100000xf32, #tpu.memory_space<vmem>>) target_semaphore(%run_scoped3A : memref<!tpu.dma_semaphore, #tpu.memory_space<semaphore_mem>>)
        %dma_wait3A_119 = arith.constant 0 : i32
        %dma_wait3A_120 = tpu.memref_slice %arg2[%add3A_29, %dma_wait3A_119] : memref<832x100000xf32, #tpu.memory_space<hbm>> -> memref<1x100000xf32, #tpu.memory_space<hbm>>
        %dma_wait3A_121 = tpu.memref_squeeze %dma_wait3A_120 : memref<1x100000xf32, #tpu.memory_space<hbm>> -> memref<100000xf32, #tpu.memory_space<hbm>>
        %dma_wait3A_122 = arith.constant 0 : i32
        %dma_wait3A_123 = tpu.memref_slice %arg2[%add3A_29, %dma_wait3A_122] : memref<832x100000xf32, #tpu.memory_space<hbm>> -> memref<1x100000xf32, #tpu.memory_space<hbm>>
        %dma_wait3A_124 = tpu.memref_squeeze %dma_wait3A_123 : memref<1x100000xf32, #tpu.memory_space<hbm>> -> memref<100000xf32, #tpu.memory_space<hbm>>
        tpu.wait_dma2 semaphore(%run_scoped3A : memref<!tpu.dma_semaphore, #tpu.memory_space<semaphore_mem>>) src(%dma_wait3A_124 : memref<100000xf32, #tpu.memory_space<hbm>>) dst(%arg5 : memref<100000xf32, #tpu.memory_space<vmem>>)
        tpu.yield
      }) : () -> ()
      %gt3A = arith.constant 0 : i32
      %gt3A_49 = arith.cmpi sgt, %scan3A_25, %gt3A : i32
      %convert_element_type3A_50 = arith.extui %gt3A_49 : i1 to i32
      %cond3A_51 = arith.constant 0 : i32
      %cond3A_52 = arith.cmpi ne, %convert_element_type3A_50, %cond3A_51 : i32
      scf.if %cond3A_52 {
        %dma_wait3A_113 = arith.constant 0 : i32
        %dma_wait3A_114 = tpu.memref_slice %arg4[%add3A_29, %dma_wait3A_113] : memref<832x4096xf32, #tpu.memory_space<hbm>> -> memref<1x4096xf32, #tpu.memory_space<hbm>>
        %dma_wait3A_115 = tpu.memref_squeeze %dma_wait3A_114 : memref<1x4096xf32, #tpu.memory_space<hbm>> -> memref<4096xf32, #tpu.memory_space<hbm>>
        %dma_wait3A_116 = arith.constant 0 : i32
        %dma_wait3A_117 = tpu.memref_slice %arg4[%add3A_29, %dma_wait3A_116] : memref<832x4096xf32, #tpu.memory_space<hbm>> -> memref<1x4096xf32, #tpu.memory_space<hbm>>
        %dma_wait3A_118 = tpu.memref_squeeze %dma_wait3A_117 : memref<1x4096xf32, #tpu.memory_space<hbm>> -> memref<4096xf32, #tpu.memory_space<hbm>>
        tpu.wait_dma2 semaphore(%arg9 : memref<!tpu.dma_semaphore, #tpu.memory_space<semaphore_mem>>) src(%arg7 : memref<4096xf32, #tpu.memory_space<vmem>>) dst(%dma_wait3A_118 : memref<4096xf32, #tpu.memory_space<hbm>>)
      } else {
      }
      %scan3A_53 = arith.constant 0 : i32
      %scan3A_54 = arith.constant 0 : i32
      %scan3A_55 = arith.constant 64 : i32
      %scan3A_56 = arith.addi %scan3A_54, %scan3A_55 : i32
      %scan3A_57 = arith.constant 1 : i32
      %scan3A_58 = scf.for %scan3A_113 = %scan3A_54 to %scan3A_56 step %scan3A_57 iter_args(%scan3A_114 = %scan3A_53) -> (i32)  : i32 {
        %mul3A_115 = arith.constant 64 : i32
        %mul3A_116 = arith.muli %scan3A_113, %mul3A_115 : i32
        %multiple_of3A = tpu.assume_multiple %mul3A_116, 64 : i32
        %add3A_117 = arith.constant 0 : i32
        %add3A_118 = arith.addi %multiple_of3A, %add3A_117 : i32
        %get3A = arith.index_cast %add3A_118 : i32 to index
        %get3A_119 = tpu.vector_load %arg6[%get3A] {strides = array<i32>} : memref<4096xi32, #tpu.memory_space<vmem>>, vector<16xi32>,
        %gather3A = tpu.vector_load_idx %arg5[%get3A_119] : memref<100000xf32, #tpu.memory_space<vmem>>[vector<16xi32>], vector<16xf32>,
        %swap3A = arith.index_cast %add3A_118 : i32 to index
        %swap3A_120 = tpu.vector_load %arg7[%swap3A] {strides = array<i32>} : memref<4096xf32, #tpu.memory_space<vmem>>, vector<16xf32>,
        tpu.vector_store %arg7[%swap3A], %gather3A {strides = array<i32>} : memref<4096xf32, #tpu.memory_space<vmem>>, vector<16xf32>,
        %add3A_121 = arith.constant 16 : i32
        %add3A_122 = arith.addi %multiple_of3A, %add3A_121 : i32
        %get3A_123 = arith.index_cast %add3A_122 : i32 to index
        %get3A_124 = tpu.vector_load %arg6[%get3A_123] {strides = array<i32>} : memref<4096xi32, #tpu.memory_space<vmem>>, vector<16xi32>,
        %gather3A_125 = tpu.vector_load_idx %arg5[%get3A_124] : memref<100000xf32, #tpu.memory_space<vmem>>[vector<16xi32>], vector<16xf32>,
        %swap3A_126 = arith.index_cast %add3A_122 : i32 to index
        %swap3A_127 = tpu.vector_load %arg7[%swap3A_126] {strides = array<i32>} : memref<4096xf32, #tpu.memory_space<vmem>>, vector<16xf32>,
        tpu.vector_store %arg7[%swap3A_126], %gather3A_125 {strides = array<i32>} : memref<4096xf32, #tpu.memory_space<vmem>>, vector<16xf32>,
        %add3A_128 = arith.constant 32 : i32
        %add3A_129 = arith.addi %multiple_of3A, %add3A_128 : i32
        %get3A_130 = arith.index_cast %add3A_129 : i32 to index
        %get3A_131 = tpu.vector_load %arg6[%get3A_130] {strides = array<i32>} : memref<4096xi32, #tpu.memory_space<vmem>>, vector<16xi32>,
        %gather3A_132 = tpu.vector_load_idx %arg5[%get3A_131] : memref<100000xf32, #tpu.memory_space<vmem>>[vector<16xi32>], vector<16xf32>,
        %swap3A_133 = arith.index_cast %add3A_129 : i32 to index
        %swap3A_134 = tpu.vector_load %arg7[%swap3A_133] {strides = array<i32>} : memref<4096xf32, #tpu.memory_space<vmem>>, vector<16xf32>,
        tpu.vector_store %arg7[%swap3A_133], %gather3A_132 {strides = array<i32>} : memref<4096xf32, #tpu.memory_space<vmem>>, vector<16xf32>,
        %add3A_135 = arith.constant 48 : i32
        %add3A_136 = arith.addi %multiple_of3A, %add3A_135 : i32
        %get3A_137 = arith.index_cast %add3A_136 : i32 to index
        %get3A_138 = tpu.vector_load %arg6[%get3A_137] {strides = array<i32>} : memref<4096xi32, #tpu.memory_space<vmem>>, vector<16xi32>,
        %gather3A_139 = tpu.vector_load_idx %arg5[%get3A_138] : memref<100000xf32, #tpu.memory_space<vmem>>[vector<16xi32>], vector<16xf32>,
        %swap3A_140 = arith.index_cast %add3A_136 : i32 to index
        %swap3A_141 = tpu.vector_load %arg7[%swap3A_140] {strides = array<i32>} : memref<4096xf32, #tpu.memory_space<vmem>>, vector<16xf32>,
        tpu.vector_store %arg7[%swap3A_140], %gather3A_139 {strides = array<i32>} : memref<4096xf32, #tpu.memory_space<vmem>>, vector<16xf32>,
        %scan3A_142 = arith.constant 0 : i32
        scf.yield %scan3A_142 : i32
      }
      %scan3A_59 = arith.constant 64 : i32
      %dma_start3A = arith.constant 0 : i32
      %dma_start3A_60 = tpu.memref_slice %arg4[%add3A_29, %dma_start3A] : memref<832x4096xf32, #tpu.memory_space<hbm>> -> memref<1x4096xf32, #tpu.memory_space<hbm>>
      %dma_start3A_61 = tpu.memref_squeeze %dma_start3A_60 : memref<1x4096xf32, #tpu.memory_space<hbm>> -> memref<4096xf32, #tpu.memory_space<hbm>>
      %dma_start3A_62 = arith.constant 0 : i32
      %dma_start3A_63 = tpu.memref_slice %arg4[%add3A_29, %dma_start3A_62] : memref<832x4096xf32, #tpu.memory_space<hbm>> -> memref<1x4096xf32, #tpu.memory_space<hbm>>
      %dma_start3A_64 = tpu.memref_squeeze %dma_start3A_63 : memref<1x4096xf32, #tpu.memory_space<hbm>> -> memref<4096xf32, #tpu.memory_space<hbm>>
      tpu.enqueue_dma source(%arg7 : memref<4096xf32, #tpu.memory_space<vmem>>) target(%dma_start3A_64 : memref<4096xf32, #tpu.memory_space<hbm>>) target_semaphore(%arg9 : memref<!tpu.dma_semaphore, #tpu.memory_space<semaphore_mem>>)
      %add3A_65 = arith.constant 1 : i32
      %add3A_66 = arith.addi %add3A_29, %add3A_65 : i32
      %jit3A_67 = arith.constant 32 : i32
      %div3A_68 = arith.divsi %add3A_66, %jit3A_67 : i32
      %sign3A_69 = arith.constant 0 : i32
      %sign3A_70 = arith.cmpi sgt, %add3A_66, %sign3A_69 : i32
      %sign3A_71 = arith.extui %sign3A_70 : i1 to i32
      %sign3A_72 = arith.constant 0 : i32
      %sign3A_73 = arith.cmpi slt, %add3A_66, %sign3A_72 : i32
      %sign3A_74 = arith.extui %sign3A_73 : i1 to i32
      %sign3A_75 = arith.subi %sign3A_71, %sign3A_74 : i32
      %sign3A_76 = arith.constant 0 : i32
      %sign3A_77 = arith.cmpi sgt, %jit3A_67, %sign3A_76 : i32
      %sign3A_78 = arith.extui %sign3A_77 : i1 to i32
      %sign3A_79 = arith.constant 0 : i32
      %sign3A_80 = arith.cmpi slt, %jit3A_67, %sign3A_79 : i32
      %sign3A_81 = arith.extui %sign3A_80 : i1 to i32
      %sign3A_82 = arith.subi %sign3A_78, %sign3A_81 : i32
      %ne3A_83 = arith.cmpi ne, %sign3A_75, %sign3A_82 : i32
      %rem3A_84 = arith.remsi %add3A_66, %jit3A_67 : i32
      %ne3A_85 = arith.constant 0 : i32
      %ne3A_86 = arith.cmpi ne, %rem3A_84, %ne3A_85 : i32
      %and3A_87 = arith.andi %ne3A_83, %ne3A_86 : i1
      %sub3A_88 = arith.constant 1 : i32
      %sub3A_89 = arith.subi %div3A_68, %sub3A_88 : i32
      %select_n3A_90 = arith.select %and3A_87, %sub3A_89, %div3A_68 : i32
      %ne3A_91 = arith.cmpi ne, %select_n3A_90, %select_n3A : i32
      %convert_element_type3A_92 = arith.extui %ne3A_91 : i1 to i32
      %cond3A_93 = arith.constant 0 : i32
      %cond3A_94 = arith.cmpi ne, %convert_element_type3A_92, %cond3A_93 : i32
      scf.if %cond3A_94 {
        "tpu.region"() ({
          %run_scoped3A = tpu.sem_alloc : memref<!tpu.dma_semaphore, #tpu.memory_space<semaphore_mem>>
          %dma_start3A_113 = arith.constant 0 : i32
          %dma_start3A_114 = tpu.memref_slice %arg3[%select_n3A_90, %dma_start3A_113] : memref<26x4096xi32, #tpu.memory_space<hbm>> -> memref<1x4096xi32, #tpu.memory_space<hbm>>
          %dma_start3A_115 = tpu.memref_squeeze %dma_start3A_114 : memref<1x4096xi32, #tpu.memory_space<hbm>> -> memref<4096xi32, #tpu.memory_space<hbm>>
          %dma_start3A_116 = arith.constant 0 : i32
          %dma_start3A_117 = tpu.memref_slice %arg3[%select_n3A_90, %dma_start3A_116] : memref<26x4096xi32, #tpu.memory_space<hbm>> -> memref<1x4096xi32, #tpu.memory_space<hbm>>
          %dma_start3A_118 = tpu.memref_squeeze %dma_start3A_117 : memref<1x4096xi32, #tpu.memory_space<hbm>> -> memref<4096xi32, #tpu.memory_space<hbm>>
          tpu.enqueue_dma source(%dma_start3A_118 : memref<4096xi32, #tpu.memory_space<hbm>>) target(%arg6 : memref<4096xi32, #tpu.memory_space<vmem>>) target_semaphore(%run_scoped3A : memref<!tpu.dma_semaphore, #tpu.memory_space<semaphore_mem>>)
          %dma_wait3A_119 = arith.constant 0 : i32
          %dma_wait3A_120 = tpu.memref_slice %arg3[%select_n3A_90, %dma_wait3A_119] : memref<26x4096xi32, #tpu.memory_space<hbm>> -> memref<1x4096xi32, #tpu.memory_space<hbm>>
          %dma_wait3A_121 = tpu.memref_squeeze %dma_wait3A_120 : memref<1x4096xi32, #tpu.memory_space<hbm>> -> memref<4096xi32, #tpu.memory_space<hbm>>
          %dma_wait3A_122 = arith.constant 0 : i32
          %dma_wait3A_123 = tpu.memref_slice %arg3[%select_n3A_90, %dma_wait3A_122] : memref<26x4096xi32, #tpu.memory_space<hbm>> -> memref<1x4096xi32, #tpu.memory_space<hbm>>
          %dma_wait3A_124 = tpu.memref_squeeze %dma_wait3A_123 : memref<1x4096xi32, #tpu.memory_space<hbm>> -> memref<4096xi32, #tpu.memory_space<hbm>>
          tpu.wait_dma2 semaphore(%run_scoped3A : memref<!tpu.dma_semaphore, #tpu.memory_space<semaphore_mem>>) src(%dma_wait3A_124 : memref<4096xi32, #tpu.memory_space<hbm>>) dst(%arg6 : memref<4096xi32, #tpu.memory_space<vmem>>)
          tpu.yield
        }) : () -> ()
      } else {
      }
      "tpu.region"() ({
        %run_scoped3A = tpu.sem_alloc : memref<!tpu.dma_semaphore, #tpu.memory_space<semaphore_mem>>
        %dma_start3A_113 = arith.constant 0 : i32
        %dma_start3A_114 = tpu.memref_slice %arg2[%add3A_66, %dma_start3A_113] : memref<832x100000xf32, #tpu.memory_space<hbm>> -> memref<1x100000xf32, #tpu.memory_space<hbm>>
        %dma_start3A_115 = tpu.memref_squeeze %dma_start3A_114 : memref<1x100000xf32, #tpu.memory_space<hbm>> -> memref<100000xf32, #tpu.memory_space<hbm>>
        %dma_start3A_116 = arith.constant 0 : i32
        %dma_start3A_117 = tpu.memref_slice %arg2[%add3A_66, %dma_start3A_116] : memref<832x100000xf32, #tpu.memory_space<hbm>> -> memref<1x100000xf32, #tpu.memory_space<hbm>>
        %dma_start3A_118 = tpu.memref_squeeze %dma_start3A_117 : memref<1x100000xf32, #tpu.memory_space<hbm>> -> memref<100000xf32, #tpu.memory_space<hbm>>
        tpu.enqueue_dma source(%dma_start3A_118 : memref<100000xf32, #tpu.memory_space<hbm>>) target(%arg5 : memref<100000xf32, #tpu.memory_space<vmem>>) target_semaphore(%run_scoped3A : memref<!tpu.dma_semaphore, #tpu.memory_space<semaphore_mem>>)
        %dma_wait3A_119 = arith.constant 0 : i32
        %dma_wait3A_120 = tpu.memref_slice %arg2[%add3A_66, %dma_wait3A_119] : memref<832x100000xf32, #tpu.memory_space<hbm>> -> memref<1x100000xf32, #tpu.memory_space<hbm>>
        %dma_wait3A_121 = tpu.memref_squeeze %dma_wait3A_120 : memref<1x100000xf32, #tpu.memory_space<hbm>> -> memref<100000xf32, #tpu.memory_space<hbm>>
        %dma_wait3A_122 = arith.constant 0 : i32
        %dma_wait3A_123 = tpu.memref_slice %arg2[%add3A_66, %dma_wait3A_122] : memref<832x100000xf32, #tpu.memory_space<hbm>> -> memref<1x100000xf32, #tpu.memory_space<hbm>>
        %dma_wait3A_124 = tpu.memref_squeeze %dma_wait3A_123 : memref<1x100000xf32, #tpu.memory_space<hbm>> -> memref<100000xf32, #tpu.memory_space<hbm>>
        tpu.wait_dma2 semaphore(%run_scoped3A : memref<!tpu.dma_semaphore, #tpu.memory_space<semaphore_mem>>) src(%dma_wait3A_124 : memref<100000xf32, #tpu.memory_space<hbm>>) dst(%arg5 : memref<100000xf32, #tpu.memory_space<vmem>>)
        tpu.yield
      }) : () -> ()
      %gt3A_95 = arith.constant 0 : i32
      %gt3A_96 = arith.cmpi sgt, %scan3A_25, %gt3A_95 : i32
      %convert_element_type3A_97 = arith.extui %gt3A_96 : i1 to i32
      %cond3A_98 = arith.constant 0 : i32
      %cond3A_99 = arith.cmpi ne, %convert_element_type3A_97, %cond3A_98 : i32
      scf.if %cond3A_99 {
        %dma_wait3A_113 = arith.constant 0 : i32
        %dma_wait3A_114 = tpu.memref_slice %arg4[%add3A_66, %dma_wait3A_113] : memref<832x4096xf32, #tpu.memory_space<hbm>> -> memref<1x4096xf32, #tpu.memory_space<hbm>>
        %dma_wait3A_115 = tpu.memref_squeeze %dma_wait3A_114 : memref<1x4096xf32, #tpu.memory_space<hbm>> -> memref<4096xf32, #tpu.memory_space<hbm>>
        %dma_wait3A_116 = arith.constant 0 : i32
        %dma_wait3A_117 = tpu.memref_slice %arg4[%add3A_66, %dma_wait3A_116] : memref<832x4096xf32, #tpu.memory_space<hbm>> -> memref<1x4096xf32, #tpu.memory_space<hbm>>
        %dma_wait3A_118 = tpu.memref_squeeze %dma_wait3A_117 : memref<1x4096xf32, #tpu.memory_space<hbm>> -> memref<4096xf32, #tpu.memory_space<hbm>>
        tpu.wait_dma2 semaphore(%arg10 : memref<!tpu.dma_semaphore, #tpu.memory_space<semaphore_mem>>) src(%arg8 : memref<4096xf32, #tpu.memory_space<vmem>>) dst(%dma_wait3A_118 : memref<4096xf32, #tpu.memory_space<hbm>>)
      } else {
      }
      %scan3A_100 = arith.constant 0 : i32
      %scan3A_101 = arith.constant 0 : i32
      %scan3A_102 = arith.constant 64 : i32
      %scan3A_103 = arith.addi %scan3A_101, %scan3A_102 : i32
      %scan3A_104 = arith.constant 1 : i32
      %scan3A_105 = scf.for %scan3A_113 = %scan3A_101 to %scan3A_103 step %scan3A_104 iter_args(%scan3A_114 = %scan3A_100) -> (i32)  : i32 {
        %mul3A_115 = arith.constant 64 : i32
        %mul3A_116 = arith.muli %scan3A_113, %mul3A_115 : i32
        %multiple_of3A = tpu.assume_multiple %mul3A_116, 64 : i32
        %add3A_117 = arith.constant 0 : i32
        %add3A_118 = arith.addi %multiple_of3A, %add3A_117 : i32
        %get3A = arith.index_cast %add3A_118 : i32 to index
        %get3A_119 = tpu.vector_load %arg6[%get3A] {strides = array<i32>} : memref<4096xi32, #tpu.memory_space<vmem>>, vector<16xi32>,
        %gather3A = tpu.vector_load_idx %arg5[%get3A_119] : memref<100000xf32, #tpu.memory_space<vmem>>[vector<16xi32>], vector<16xf32>,
        %swap3A = arith.index_cast %add3A_118 : i32 to index
        %swap3A_120 = tpu.vector_load %arg8[%swap3A] {strides = array<i32>} : memref<4096xf32, #tpu.memory_space<vmem>>, vector<16xf32>,
        tpu.vector_store %arg8[%swap3A], %gather3A {strides = array<i32>} : memref<4096xf32, #tpu.memory_space<vmem>>, vector<16xf32>,
        %add3A_121 = arith.constant 16 : i32
        %add3A_122 = arith.addi %multiple_of3A, %add3A_121 : i32
        %get3A_123 = arith.index_cast %add3A_122 : i32 to index
        %get3A_124 = tpu.vector_load %arg6[%get3A_123] {strides = array<i32>} : memref<4096xi32, #tpu.memory_space<vmem>>, vector<16xi32>,
        %gather3A_125 = tpu.vector_load_idx %arg5[%get3A_124] : memref<100000xf32, #tpu.memory_space<vmem>>[vector<16xi32>], vector<16xf32>,
        %swap3A_126 = arith.index_cast %add3A_122 : i32 to index
        %swap3A_127 = tpu.vector_load %arg8[%swap3A_126] {strides = array<i32>} : memref<4096xf32, #tpu.memory_space<vmem>>, vector<16xf32>,
        tpu.vector_store %arg8[%swap3A_126], %gather3A_125 {strides = array<i32>} : memref<4096xf32, #tpu.memory_space<vmem>>, vector<16xf32>,
        %add3A_128 = arith.constant 32 : i32
        %add3A_129 = arith.addi %multiple_of3A, %add3A_128 : i32
        %get3A_130 = arith.index_cast %add3A_129 : i32 to index
        %get3A_131 = tpu.vector_load %arg6[%get3A_130] {strides = array<i32>} : memref<4096xi32, #tpu.memory_space<vmem>>, vector<16xi32>,
        %gather3A_132 = tpu.vector_load_idx %arg5[%get3A_131] : memref<100000xf32, #tpu.memory_space<vmem>>[vector<16xi32>], vector<16xf32>,
        %swap3A_133 = arith.index_cast %add3A_129 : i32 to index
        %swap3A_134 = tpu.vector_load %arg8[%swap3A_133] {strides = array<i32>} : memref<4096xf32, #tpu.memory_space<vmem>>, vector<16xf32>,
        tpu.vector_store %arg8[%swap3A_133], %gather3A_132 {strides = array<i32>} : memref<4096xf32, #tpu.memory_space<vmem>>, vector<16xf32>,
        %add3A_135 = arith.constant 48 : i32
        %add3A_136 = arith.addi %multiple_of3A, %add3A_135 : i32
        %get3A_137 = arith.index_cast %add3A_136 : i32 to index
        %get3A_138 = tpu.vector_load %arg6[%get3A_137] {strides = array<i32>} : memref<4096xi32, #tpu.memory_space<vmem>>, vector<16xi32>,
        %gather3A_139 = tpu.vector_load_idx %arg5[%get3A_138] : memref<100000xf32, #tpu.memory_space<vmem>>[vector<16xi32>], vector<16xf32>,
        %swap3A_140 = arith.index_cast %add3A_136 : i32 to index
        %swap3A_141 = tpu.vector_load %arg8[%swap3A_140] {strides = array<i32>} : memref<4096xf32, #tpu.memory_space<vmem>>, vector<16xf32>,
        tpu.vector_store %arg8[%swap3A_140], %gather3A_139 {strides = array<i32>} : memref<4096xf32, #tpu.memory_space<vmem>>, vector<16xf32>,
        %scan3A_142 = arith.constant 0 : i32
        scf.yield %scan3A_142 : i32
      }
      %scan3A_106 = arith.constant 64 : i32
      %dma_start3A_107 = arith.constant 0 : i32
      %dma_start3A_108 = tpu.memref_slice %arg4[%add3A_66, %dma_start3A_107] : memref<832x4096xf32, #tpu.memory_space<hbm>> -> memref<1x4096xf32, #tpu.memory_space<hbm>>
      %dma_start3A_109 = tpu.memref_squeeze %dma_start3A_108 : memref<1x4096xf32, #tpu.memory_space<hbm>> -> memref<4096xf32, #tpu.memory_space<hbm>>
      %dma_start3A_110 = arith.constant 0 : i32
      %dma_start3A_111 = tpu.memref_slice %arg4[%add3A_66, %dma_start3A_110] : memref<832x4096xf32, #tpu.memory_space<hbm>> -> memref<1x4096xf32, #tpu.memory_space<hbm>>
      %dma_start3A_112 = tpu.memref_squeeze %dma_start3A_111 : memref<1x4096xf32, #tpu.memory_space<hbm>> -> memref<4096xf32, #tpu.memory_space<hbm>>
      tpu.enqueue_dma source(%arg8 : memref<4096xf32, #tpu.memory_space<vmem>>) target(%dma_start3A_112 : memref<4096xf32, #tpu.memory_space<hbm>>) target_semaphore(%arg10 : memref<!tpu.dma_semaphore, #tpu.memory_space<semaphore_mem>>)
      scf.yield %select_n3A_90 : i32
    }
    %scan3A_8 = arith.constant 13 : i32
    %add3A_9 = arith.constant 26 : i32
    %add3A_10 = arith.addi %mul3A_2, %add3A_9 : i32
    %sub3A = arith.constant 2 : i32
    %sub3A_11 = arith.subi %add3A_10, %sub3A : i32
    %dma_wait3A = arith.constant 0 : i32
    %dma_wait3A_12 = tpu.memref_slice %arg4[%sub3A_11, %dma_wait3A] : memref<832x4096xf32, #tpu.memory_space<hbm>> -> memref<1x4096xf32, #tpu.memory_space<hbm>>
    %dma_wait3A_13 = tpu.memref_squeeze %dma_wait3A_12 : memref<1x4096xf32, #tpu.memory_space<hbm>> -> memref<4096xf32, #tpu.memory_space<hbm>>
    %dma_wait3A_14 = arith.constant 0 : i32
    %dma_wait3A_15 = tpu.memref_slice %arg4[%sub3A_11, %dma_wait3A_14] : memref<832x4096xf32, #tpu.memory_space<hbm>> -> memref<1x4096xf32, #tpu.memory_space<hbm>>
    %dma_wait3A_16 = tpu.memref_squeeze %dma_wait3A_15 : memref<1x4096xf32, #tpu.memory_space<hbm>> -> memref<4096xf32, #tpu.memory_space<hbm>>
    tpu.wait_dma2 semaphore(%arg9 : memref<!tpu.dma_semaphore, #tpu.memory_space<semaphore_mem>>) src(%arg7 : memref<4096xf32, #tpu.memory_space<vmem>>) dst(%dma_wait3A_16 : memref<4096xf32, #tpu.memory_space<hbm>>)
    %add3A_17 = arith.constant 1 : i32
    %add3A_18 = arith.addi %sub3A_11, %add3A_17 : i32
    %dma_wait3A_19 = arith.constant 0 : i32
    %dma_wait3A_20 = tpu.memref_slice %arg4[%add3A_18, %dma_wait3A_19] : memref<832x4096xf32, #tpu.memory_space<hbm>> -> memref<1x4096xf32, #tpu.memory_space<hbm>>
    %dma_wait3A_21 = tpu.memref_squeeze %dma_wait3A_20 : memref<1x4096xf32, #tpu.memory_space<hbm>> -> memref<4096xf32, #tpu.memory_space<hbm>>
    %dma_wait3A_22 = arith.constant 0 : i32
    %dma_wait3A_23 = tpu.memref_slice %arg4[%add3A_18, %dma_wait3A_22] : memref<832x4096xf32, #tpu.memory_space<hbm>> -> memref<1x4096xf32, #tpu.memory_space<hbm>>
    %dma_wait3A_24 = tpu.memref_squeeze %dma_wait3A_23 : memref<1x4096xf32, #tpu.memory_space<hbm>> -> memref<4096xf32, #tpu.memory_space<hbm>>
    tpu.wait_dma2 semaphore(%arg10 : memref<!tpu.dma_semaphore, #tpu.memory_space<semaphore_mem>>) src(%arg8 : memref<4096xf32, #tpu.memory_space<vmem>>) dst(%dma_wait3A_24 : memref<4096xf32, #tpu.memory_space<hbm>>)
    return
  }
}

module attributes {stable_mosaic.version = 14 : i64} {
  func.func @_tc_body(%arg0: i32, %arg1: memref<13x1024xf32, #tpu.memory_space<vmem>>, %arg2: memref<832x1024xf32, #tpu.memory_space<vmem>>, %arg3: memref<512x13xf32, #tpu.memory_space<vmem>>, %arg4: memref<512x1xf32, #tpu.memory_space<vmem>>, %arg5: memref<256x512xf32, #tpu.memory_space<vmem>>, %arg6: memref<256x1xf32, #tpu.memory_space<vmem>>, %arg7: memref<32x256xf32, #tpu.memory_space<vmem>>, %arg8: memref<32x1xf32, #tpu.memory_space<vmem>>, %arg9: memref<512x32xf32, #tpu.memory_space<vmem>>, %arg10: memref<512x351xf32, #tpu.memory_space<vmem>>, %arg11: memref<512x1xf32, #tpu.memory_space<vmem>>, %arg12: memref<256x512xf32, #tpu.memory_space<vmem>>, %arg13: memref<256x1xf32, #tpu.memory_space<vmem>>, %arg14: memref<1x256xf32, #tpu.memory_space<vmem>>, %arg15: memref<1x1xf32, #tpu.memory_space<vmem>>, %arg16: memref<1x1024xf32, #tpu.memory_space<vmem>>) attributes {dimension_semantics = [#tpu.dimension_semantics<arbitrary>], iteration_bounds = array<i64: 4>, scalar_prefetch = 0 : i64, scratch_operands = 0 : i64, tpu.core_type = #tpu.core_type<tc>, window_params = [{transform_indices = @transform_0, window_bounds = array<i64: 13, 1024>}, {transform_indices = @transform_1, window_bounds = array<i64: 832, 1024>}, {pipeline_mode = #tpu.pipeline_mode<synchronous>, transform_indices = @transform_2, window_bounds = array<i64: 512, 13>}, {pipeline_mode = #tpu.pipeline_mode<synchronous>, transform_indices = @transform_3, window_bounds = array<i64: 512, 1>}, {pipeline_mode = #tpu.pipeline_mode<synchronous>, transform_indices = @transform_4, window_bounds = array<i64: 256, 512>}, {pipeline_mode = #tpu.pipeline_mode<synchronous>, transform_indices = @transform_5, window_bounds = array<i64: 256, 1>}, {pipeline_mode = #tpu.pipeline_mode<synchronous>, transform_indices = @transform_6, window_bounds = array<i64: 32, 256>}, {pipeline_mode = #tpu.pipeline_mode<synchronous>, transform_indices = @transform_7, window_bounds = array<i64: 32, 1>}, {pipeline_mode = #tpu.pipeline_mode<synchronous>, transform_indices = @transform_8, window_bounds = array<i64: 512, 32>}, {pipeline_mode = #tpu.pipeline_mode<synchronous>, transform_indices = @transform_9, window_bounds = array<i64: 512, 351>}, {pipeline_mode = #tpu.pipeline_mode<synchronous>, transform_indices = @transform_10, window_bounds = array<i64: 512, 1>}, {pipeline_mode = #tpu.pipeline_mode<synchronous>, transform_indices = @transform_11, window_bounds = array<i64: 256, 512>}, {pipeline_mode = #tpu.pipeline_mode<synchronous>, transform_indices = @transform_12, window_bounds = array<i64: 256, 1>}, {pipeline_mode = #tpu.pipeline_mode<synchronous>, transform_indices = @transform_13, window_bounds = array<i64: 1, 256>}, {pipeline_mode = #tpu.pipeline_mode<synchronous>, transform_indices = @transform_14, window_bounds = array<i64: 1, 1>}, {transform_indices = @transform_15, window_bounds = array<i64: 1, 1024>}]} {
    %get3A = arith.constant 0 : index
    %get3A_0 = arith.constant 0 : index
    %get3A_1 = vector.load %arg1[%get3A, %get3A_0] : memref<13x1024xf32, #tpu.memory_space<vmem>>, vector<13x1024xf32>
    %get3A_2 = arith.constant 0 : index
    %get3A_3 = arith.constant 0 : index
    %get3A_4 = vector.load %arg3[%get3A_2, %get3A_3] : memref<512x13xf32, #tpu.memory_space<vmem>>, vector<512x13xf32>
    %dot_general3A = arith.constant dense<0.000000e+00> : vector<512x1024xf32>
    %dot_general3A_5 = tpu.matmul %get3A_4, %get3A_1, %dot_general3A {dimension_numbers = #tpu.dot_dimension_numbers<[1], [0], [0], [1], [0, 0, 1, 1], [], []>, transpose_lhs_hint = false} : vector<512x13xf32>, vector<13x1024xf32>, vector<512x1024xf32> -> vector<512x1024xf32>
    %get3A_6 = arith.constant 0 : index
    %get3A_7 = arith.constant 0 : index
    %get3A_8 = vector.load %arg4[%get3A_6, %get3A_7] : memref<512x1xf32, #tpu.memory_space<vmem>>, vector<512x1xf32>
    %add3A = vector.broadcast %get3A_8 : vector<512x1xf32> to vector<512x1024xf32>
    %add3A_9 = arith.addf %dot_general3A_5, %add3A : vector<512x1024xf32>
    %max3A = arith.constant 0.000000e+00 : f32
    %max3A_10 = vector.broadcast %max3A : f32 to vector<512x1024xf32>
    %max3A_11 = arith.maximumf %add3A_9, %max3A_10 : vector<512x1024xf32>
    %get3A_12 = arith.constant 0 : index
    %get3A_13 = arith.constant 0 : index
    %get3A_14 = vector.load %arg5[%get3A_12, %get3A_13] : memref<256x512xf32, #tpu.memory_space<vmem>>, vector<256x512xf32>
    %dot_general3A_15 = arith.constant dense<0.000000e+00> : vector<256x1024xf32>
    %dot_general3A_16 = tpu.matmul %get3A_14, %max3A_11, %dot_general3A_15 {dimension_numbers = #tpu.dot_dimension_numbers<[1], [0], [0], [1], [0, 0, 1, 1], [], []>, transpose_lhs_hint = false} : vector<256x512xf32>, vector<512x1024xf32>, vector<256x1024xf32> -> vector<256x1024xf32>
    %get3A_17 = arith.constant 0 : index
    %get3A_18 = arith.constant 0 : index
    %get3A_19 = vector.load %arg6[%get3A_17, %get3A_18] : memref<256x1xf32, #tpu.memory_space<vmem>>, vector<256x1xf32>
    %add3A_20 = vector.broadcast %get3A_19 : vector<256x1xf32> to vector<256x1024xf32>
    %add3A_21 = arith.addf %dot_general3A_16, %add3A_20 : vector<256x1024xf32>
    %max3A_22 = arith.constant 0.000000e+00 : f32
    %max3A_23 = vector.broadcast %max3A_22 : f32 to vector<256x1024xf32>
    %max3A_24 = arith.maximumf %add3A_21, %max3A_23 : vector<256x1024xf32>
    %get3A_25 = arith.constant 0 : index
    %get3A_26 = arith.constant 0 : index
    %get3A_27 = vector.load %arg7[%get3A_25, %get3A_26] : memref<32x256xf32, #tpu.memory_space<vmem>>, vector<32x256xf32>
    %dot_general3A_28 = arith.constant dense<0.000000e+00> : vector<32x1024xf32>
    %dot_general3A_29 = tpu.matmul %get3A_27, %max3A_24, %dot_general3A_28 {dimension_numbers = #tpu.dot_dimension_numbers<[1], [0], [0], [1], [0, 0, 1, 1], [], []>, transpose_lhs_hint = false} : vector<32x256xf32>, vector<256x1024xf32>, vector<32x1024xf32> -> vector<32x1024xf32>
    %get3A_30 = arith.constant 0 : index
    %get3A_31 = arith.constant 0 : index
    %get3A_32 = vector.load %arg8[%get3A_30, %get3A_31] : memref<32x1xf32, #tpu.memory_space<vmem>>, vector<32x1xf32>
    %add3A_33 = vector.broadcast %get3A_32 : vector<32x1xf32> to vector<32x1024xf32>
    %add3A_34 = arith.addf %dot_general3A_29, %add3A_33 : vector<32x1024xf32>
    %max3A_35 = arith.constant 0.000000e+00 : f32
    %max3A_36 = vector.broadcast %max3A_35 : f32 to vector<32x1024xf32>
    %max3A_37 = arith.maximumf %add3A_34, %max3A_36 : vector<32x1024xf32>
    %get3A_38 = arith.constant 0 : index
    %get3A_39 = arith.constant 0 : index
    %get3A_40 = vector.load %arg2[%get3A_38, %get3A_39] : memref<832x1024xf32, #tpu.memory_space<vmem>>, vector<832x1024xf32>
    %concatenate3A = tpu.concatenate %max3A_37, %get3A_40 in 0 : vector<32x1024xf32>, vector<832x1024xf32> -> vector<864x1024xf32>
    %reshape3A = vector.shape_cast %concatenate3A : vector<864x1024xf32> to vector<27x32x1024xf32>
    %convert_element_type3A = arith.truncf %reshape3A : vector<27x32x1024xf32> to vector<27x32x1024xbf16>
    %slice3A = vector.extract_strided_slice %convert_element_type3A {offsets = [0, 0, 0], sizes = [1, 32, 1024], strides = [1, 1, 1]} : vector<27x32x1024xbf16> to vector<1x32x1024xbf16>
    %slice3A_41 = vector.extract_strided_slice %convert_element_type3A {offsets = [1, 0, 0], sizes = [1, 32, 1024], strides = [1, 1, 1]} : vector<27x32x1024xbf16> to vector<1x32x1024xbf16>
    %squeeze3A = vector.shape_cast %slice3A_41 : vector<1x32x1024xbf16> to vector<32x1024xbf16>
    %broadcast_in_dim3A = vector.shape_cast %squeeze3A : vector<32x1024xbf16> to vector<1x32x1024xbf16>
    %mul3A = arith.mulf %slice3A, %broadcast_in_dim3A : vector<1x32x1024xbf16>
    %convert_element_type3A_42 = arith.extf %mul3A : vector<1x32x1024xbf16> to vector<1x32x1024xf32>
    %reduce_sum3A = arith.constant dense<0.000000e+00> : vector<1x1024xf32>
    %reduce_sum3A_43 = vector.multi_reduction <add>, %convert_element_type3A_42, %reduce_sum3A [1] : vector<1x32x1024xf32> to vector<1x1024xf32>
    %convert_element_type3A_44 = arith.truncf %reduce_sum3A_43 : vector<1x1024xf32> to vector<1x1024xbf16>
    %slice3A_45 = vector.extract_strided_slice %convert_element_type3A {offsets = [0, 0, 0], sizes = [2, 32, 1024], strides = [1, 1, 1]} : vector<27x32x1024xbf16> to vector<2x32x1024xbf16>
    %slice3A_46 = vector.extract_strided_slice %convert_element_type3A {offsets = [2, 0, 0], sizes = [1, 32, 1024], strides = [1, 1, 1]} : vector<27x32x1024xbf16> to vector<1x32x1024xbf16>
    %squeeze3A_47 = vector.shape_cast %slice3A_46 : vector<1x32x1024xbf16> to vector<32x1024xbf16>
    %broadcast_in_dim3A_48 = vector.shape_cast %squeeze3A_47 : vector<32x1024xbf16> to vector<1x32x1024xbf16>
    %mul3A_49 = vector.broadcast %broadcast_in_dim3A_48 : vector<1x32x1024xbf16> to vector<2x32x1024xbf16>
    %mul3A_50 = arith.mulf %slice3A_45, %mul3A_49 : vector<2x32x1024xbf16>
    %convert_element_type3A_51 = arith.extf %mul3A_50 : vector<2x32x1024xbf16> to vector<2x32x1024xf32>
    %reduce_sum3A_52 = arith.constant dense<0.000000e+00> : vector<2x1024xf32>
    %reduce_sum3A_53 = vector.multi_reduction <add>, %convert_element_type3A_51, %reduce_sum3A_52 [1] : vector<2x32x1024xf32> to vector<2x1024xf32>
    %convert_element_type3A_54 = arith.truncf %reduce_sum3A_53 : vector<2x1024xf32> to vector<2x1024xbf16>
    %slice3A_55 = vector.extract_strided_slice %convert_element_type3A {offsets = [0, 0, 0], sizes = [3, 32, 1024], strides = [1, 1, 1]} : vector<27x32x1024xbf16> to vector<3x32x1024xbf16>
    %slice3A_56 = vector.extract_strided_slice %convert_element_type3A {offsets = [3, 0, 0], sizes = [1, 32, 1024], strides = [1, 1, 1]} : vector<27x32x1024xbf16> to vector<1x32x1024xbf16>
    %squeeze3A_57 = vector.shape_cast %slice3A_56 : vector<1x32x1024xbf16> to vector<32x1024xbf16>
    %broadcast_in_dim3A_58 = vector.shape_cast %squeeze3A_57 : vector<32x1024xbf16> to vector<1x32x1024xbf16>
    %mul3A_59 = vector.broadcast %broadcast_in_dim3A_58 : vector<1x32x1024xbf16> to vector<3x32x1024xbf16>
    %mul3A_60 = arith.mulf %slice3A_55, %mul3A_59 : vector<3x32x1024xbf16>
    %convert_element_type3A_61 = arith.extf %mul3A_60 : vector<3x32x1024xbf16> to vector<3x32x1024xf32>
    %reduce_sum3A_62 = arith.constant dense<0.000000e+00> : vector<3x1024xf32>
    %reduce_sum3A_63 = vector.multi_reduction <add>, %convert_element_type3A_61, %reduce_sum3A_62 [1] : vector<3x32x1024xf32> to vector<3x1024xf32>
    %convert_element_type3A_64 = arith.truncf %reduce_sum3A_63 : vector<3x1024xf32> to vector<3x1024xbf16>
    %slice3A_65 = vector.extract_strided_slice %convert_element_type3A {offsets = [0, 0, 0], sizes = [4, 32, 1024], strides = [1, 1, 1]} : vector<27x32x1024xbf16> to vector<4x32x1024xbf16>
    %slice3A_66 = vector.extract_strided_slice %convert_element_type3A {offsets = [4, 0, 0], sizes = [1, 32, 1024], strides = [1, 1, 1]} : vector<27x32x1024xbf16> to vector<1x32x1024xbf16>
    %squeeze3A_67 = vector.shape_cast %slice3A_66 : vector<1x32x1024xbf16> to vector<32x1024xbf16>
    %broadcast_in_dim3A_68 = vector.shape_cast %squeeze3A_67 : vector<32x1024xbf16> to vector<1x32x1024xbf16>
    %mul3A_69 = vector.broadcast %broadcast_in_dim3A_68 : vector<1x32x1024xbf16> to vector<4x32x1024xbf16>
    %mul3A_70 = arith.mulf %slice3A_65, %mul3A_69 : vector<4x32x1024xbf16>
    %convert_element_type3A_71 = arith.extf %mul3A_70 : vector<4x32x1024xbf16> to vector<4x32x1024xf32>
    %reduce_sum3A_72 = arith.constant dense<0.000000e+00> : vector<4x1024xf32>
    %reduce_sum3A_73 = vector.multi_reduction <add>, %convert_element_type3A_71, %reduce_sum3A_72 [1] : vector<4x32x1024xf32> to vector<4x1024xf32>
    %convert_element_type3A_74 = arith.truncf %reduce_sum3A_73 : vector<4x1024xf32> to vector<4x1024xbf16>
    %slice3A_75 = vector.extract_strided_slice %convert_element_type3A {offsets = [0, 0, 0], sizes = [5, 32, 1024], strides = [1, 1, 1]} : vector<27x32x1024xbf16> to vector<5x32x1024xbf16>
    %slice3A_76 = vector.extract_strided_slice %convert_element_type3A {offsets = [5, 0, 0], sizes = [1, 32, 1024], strides = [1, 1, 1]} : vector<27x32x1024xbf16> to vector<1x32x1024xbf16>
    %squeeze3A_77 = vector.shape_cast %slice3A_76 : vector<1x32x1024xbf16> to vector<32x1024xbf16>
    %broadcast_in_dim3A_78 = vector.shape_cast %squeeze3A_77 : vector<32x1024xbf16> to vector<1x32x1024xbf16>
    %mul3A_79 = vector.broadcast %broadcast_in_dim3A_78 : vector<1x32x1024xbf16> to vector<5x32x1024xbf16>
    %mul3A_80 = arith.mulf %slice3A_75, %mul3A_79 : vector<5x32x1024xbf16>
    %convert_element_type3A_81 = arith.extf %mul3A_80 : vector<5x32x1024xbf16> to vector<5x32x1024xf32>
    %reduce_sum3A_82 = arith.constant dense<0.000000e+00> : vector<5x1024xf32>
    %reduce_sum3A_83 = vector.multi_reduction <add>, %convert_element_type3A_81, %reduce_sum3A_82 [1] : vector<5x32x1024xf32> to vector<5x1024xf32>
    %convert_element_type3A_84 = arith.truncf %reduce_sum3A_83 : vector<5x1024xf32> to vector<5x1024xbf16>
    %slice3A_85 = vector.extract_strided_slice %convert_element_type3A {offsets = [0, 0, 0], sizes = [6, 32, 1024], strides = [1, 1, 1]} : vector<27x32x1024xbf16> to vector<6x32x1024xbf16>
    %slice3A_86 = vector.extract_strided_slice %convert_element_type3A {offsets = [6, 0, 0], sizes = [1, 32, 1024], strides = [1, 1, 1]} : vector<27x32x1024xbf16> to vector<1x32x1024xbf16>
    %squeeze3A_87 = vector.shape_cast %slice3A_86 : vector<1x32x1024xbf16> to vector<32x1024xbf16>
    %broadcast_in_dim3A_88 = vector.shape_cast %squeeze3A_87 : vector<32x1024xbf16> to vector<1x32x1024xbf16>
    %mul3A_89 = vector.broadcast %broadcast_in_dim3A_88 : vector<1x32x1024xbf16> to vector<6x32x1024xbf16>
    %mul3A_90 = arith.mulf %slice3A_85, %mul3A_89 : vector<6x32x1024xbf16>
    %convert_element_type3A_91 = arith.extf %mul3A_90 : vector<6x32x1024xbf16> to vector<6x32x1024xf32>
    %reduce_sum3A_92 = arith.constant dense<0.000000e+00> : vector<6x1024xf32>
    %reduce_sum3A_93 = vector.multi_reduction <add>, %convert_element_type3A_91, %reduce_sum3A_92 [1] : vector<6x32x1024xf32> to vector<6x1024xf32>
    %convert_element_type3A_94 = arith.truncf %reduce_sum3A_93 : vector<6x1024xf32> to vector<6x1024xbf16>
    %slice3A_95 = vector.extract_strided_slice %convert_element_type3A {offsets = [0, 0, 0], sizes = [7, 32, 1024], strides = [1, 1, 1]} : vector<27x32x1024xbf16> to vector<7x32x1024xbf16>
    %slice3A_96 = vector.extract_strided_slice %convert_element_type3A {offsets = [7, 0, 0], sizes = [1, 32, 1024], strides = [1, 1, 1]} : vector<27x32x1024xbf16> to vector<1x32x1024xbf16>
    %squeeze3A_97 = vector.shape_cast %slice3A_96 : vector<1x32x1024xbf16> to vector<32x1024xbf16>
    %broadcast_in_dim3A_98 = vector.shape_cast %squeeze3A_97 : vector<32x1024xbf16> to vector<1x32x1024xbf16>
    %mul3A_99 = vector.broadcast %broadcast_in_dim3A_98 : vector<1x32x1024xbf16> to vector<7x32x1024xbf16>
    %mul3A_100 = arith.mulf %slice3A_95, %mul3A_99 : vector<7x32x1024xbf16>
    %convert_element_type3A_101 = arith.extf %mul3A_100 : vector<7x32x1024xbf16> to vector<7x32x1024xf32>
    %reduce_sum3A_102 = arith.constant dense<0.000000e+00> : vector<7x1024xf32>
    %reduce_sum3A_103 = vector.multi_reduction <add>, %convert_element_type3A_101, %reduce_sum3A_102 [1] : vector<7x32x1024xf32> to vector<7x1024xf32>
    %convert_element_type3A_104 = arith.truncf %reduce_sum3A_103 : vector<7x1024xf32> to vector<7x1024xbf16>
    %slice3A_105 = vector.extract_strided_slice %convert_element_type3A {offsets = [0, 0, 0], sizes = [8, 32, 1024], strides = [1, 1, 1]} : vector<27x32x1024xbf16> to vector<8x32x1024xbf16>
    %slice3A_106 = vector.extract_strided_slice %convert_element_type3A {offsets = [8, 0, 0], sizes = [1, 32, 1024], strides = [1, 1, 1]} : vector<27x32x1024xbf16> to vector<1x32x1024xbf16>
    %squeeze3A_107 = vector.shape_cast %slice3A_106 : vector<1x32x1024xbf16> to vector<32x1024xbf16>
    %broadcast_in_dim3A_108 = vector.shape_cast %squeeze3A_107 : vector<32x1024xbf16> to vector<1x32x1024xbf16>
    %mul3A_109 = vector.broadcast %broadcast_in_dim3A_108 : vector<1x32x1024xbf16> to vector<8x32x1024xbf16>
    %mul3A_110 = arith.mulf %slice3A_105, %mul3A_109 : vector<8x32x1024xbf16>
    %convert_element_type3A_111 = arith.extf %mul3A_110 : vector<8x32x1024xbf16> to vector<8x32x1024xf32>
    %reduce_sum3A_112 = arith.constant dense<0.000000e+00> : vector<8x1024xf32>
    %reduce_sum3A_113 = vector.multi_reduction <add>, %convert_element_type3A_111, %reduce_sum3A_112 [1] : vector<8x32x1024xf32> to vector<8x1024xf32>
    %convert_element_type3A_114 = arith.truncf %reduce_sum3A_113 : vector<8x1024xf32> to vector<8x1024xbf16>
    %slice3A_115 = vector.extract_strided_slice %convert_element_type3A {offsets = [0, 0, 0], sizes = [9, 32, 1024], strides = [1, 1, 1]} : vector<27x32x1024xbf16> to vector<9x32x1024xbf16>
    %slice3A_116 = vector.extract_strided_slice %convert_element_type3A {offsets = [9, 0, 0], sizes = [1, 32, 1024], strides = [1, 1, 1]} : vector<27x32x1024xbf16> to vector<1x32x1024xbf16>
    %squeeze3A_117 = vector.shape_cast %slice3A_116 : vector<1x32x1024xbf16> to vector<32x1024xbf16>
    %broadcast_in_dim3A_118 = vector.shape_cast %squeeze3A_117 : vector<32x1024xbf16> to vector<1x32x1024xbf16>
    %mul3A_119 = vector.broadcast %broadcast_in_dim3A_118 : vector<1x32x1024xbf16> to vector<9x32x1024xbf16>
    %mul3A_120 = arith.mulf %slice3A_115, %mul3A_119 : vector<9x32x1024xbf16>
    %convert_element_type3A_121 = arith.extf %mul3A_120 : vector<9x32x1024xbf16> to vector<9x32x1024xf32>
    %reduce_sum3A_122 = arith.constant dense<0.000000e+00> : vector<9x1024xf32>
    %reduce_sum3A_123 = vector.multi_reduction <add>, %convert_element_type3A_121, %reduce_sum3A_122 [1] : vector<9x32x1024xf32> to vector<9x1024xf32>
    %convert_element_type3A_124 = arith.truncf %reduce_sum3A_123 : vector<9x1024xf32> to vector<9x1024xbf16>
    %slice3A_125 = vector.extract_strided_slice %convert_element_type3A {offsets = [0, 0, 0], sizes = [10, 32, 1024], strides = [1, 1, 1]} : vector<27x32x1024xbf16> to vector<10x32x1024xbf16>
    %slice3A_126 = vector.extract_strided_slice %convert_element_type3A {offsets = [10, 0, 0], sizes = [1, 32, 1024], strides = [1, 1, 1]} : vector<27x32x1024xbf16> to vector<1x32x1024xbf16>
    %squeeze3A_127 = vector.shape_cast %slice3A_126 : vector<1x32x1024xbf16> to vector<32x1024xbf16>
    %broadcast_in_dim3A_128 = vector.shape_cast %squeeze3A_127 : vector<32x1024xbf16> to vector<1x32x1024xbf16>
    %mul3A_129 = vector.broadcast %broadcast_in_dim3A_128 : vector<1x32x1024xbf16> to vector<10x32x1024xbf16>
    %mul3A_130 = arith.mulf %slice3A_125, %mul3A_129 : vector<10x32x1024xbf16>
    %convert_element_type3A_131 = arith.extf %mul3A_130 : vector<10x32x1024xbf16> to vector<10x32x1024xf32>
    %reduce_sum3A_132 = arith.constant dense<0.000000e+00> : vector<10x1024xf32>
    %reduce_sum3A_133 = vector.multi_reduction <add>, %convert_element_type3A_131, %reduce_sum3A_132 [1] : vector<10x32x1024xf32> to vector<10x1024xf32>
    %convert_element_type3A_134 = arith.truncf %reduce_sum3A_133 : vector<10x1024xf32> to vector<10x1024xbf16>
    %slice3A_135 = vector.extract_strided_slice %convert_element_type3A {offsets = [0, 0, 0], sizes = [11, 32, 1024], strides = [1, 1, 1]} : vector<27x32x1024xbf16> to vector<11x32x1024xbf16>
    %slice3A_136 = vector.extract_strided_slice %convert_element_type3A {offsets = [11, 0, 0], sizes = [1, 32, 1024], strides = [1, 1, 1]} : vector<27x32x1024xbf16> to vector<1x32x1024xbf16>
    %squeeze3A_137 = vector.shape_cast %slice3A_136 : vector<1x32x1024xbf16> to vector<32x1024xbf16>
    %broadcast_in_dim3A_138 = vector.shape_cast %squeeze3A_137 : vector<32x1024xbf16> to vector<1x32x1024xbf16>
    %mul3A_139 = vector.broadcast %broadcast_in_dim3A_138 : vector<1x32x1024xbf16> to vector<11x32x1024xbf16>
    %mul3A_140 = arith.mulf %slice3A_135, %mul3A_139 : vector<11x32x1024xbf16>
    %convert_element_type3A_141 = arith.extf %mul3A_140 : vector<11x32x1024xbf16> to vector<11x32x1024xf32>
    %reduce_sum3A_142 = arith.constant dense<0.000000e+00> : vector<11x1024xf32>
    %reduce_sum3A_143 = vector.multi_reduction <add>, %convert_element_type3A_141, %reduce_sum3A_142 [1] : vector<11x32x1024xf32> to vector<11x1024xf32>
    %convert_element_type3A_144 = arith.truncf %reduce_sum3A_143 : vector<11x1024xf32> to vector<11x1024xbf16>
    %slice3A_145 = vector.extract_strided_slice %convert_element_type3A {offsets = [0, 0, 0], sizes = [12, 32, 1024], strides = [1, 1, 1]} : vector<27x32x1024xbf16> to vector<12x32x1024xbf16>
    %slice3A_146 = vector.extract_strided_slice %convert_element_type3A {offsets = [12, 0, 0], sizes = [1, 32, 1024], strides = [1, 1, 1]} : vector<27x32x1024xbf16> to vector<1x32x1024xbf16>
    %squeeze3A_147 = vector.shape_cast %slice3A_146 : vector<1x32x1024xbf16> to vector<32x1024xbf16>
    %broadcast_in_dim3A_148 = vector.shape_cast %squeeze3A_147 : vector<32x1024xbf16> to vector<1x32x1024xbf16>
    %mul3A_149 = vector.broadcast %broadcast_in_dim3A_148 : vector<1x32x1024xbf16> to vector<12x32x1024xbf16>
    %mul3A_150 = arith.mulf %slice3A_145, %mul3A_149 : vector<12x32x1024xbf16>
    %convert_element_type3A_151 = arith.extf %mul3A_150 : vector<12x32x1024xbf16> to vector<12x32x1024xf32>
    %reduce_sum3A_152 = arith.constant dense<0.000000e+00> : vector<12x1024xf32>
    %reduce_sum3A_153 = vector.multi_reduction <add>, %convert_element_type3A_151, %reduce_sum3A_152 [1] : vector<12x32x1024xf32> to vector<12x1024xf32>
    %convert_element_type3A_154 = arith.truncf %reduce_sum3A_153 : vector<12x1024xf32> to vector<12x1024xbf16>
    %slice3A_155 = vector.extract_strided_slice %convert_element_type3A {offsets = [0, 0, 0], sizes = [13, 32, 1024], strides = [1, 1, 1]} : vector<27x32x1024xbf16> to vector<13x32x1024xbf16>
    %slice3A_156 = vector.extract_strided_slice %convert_element_type3A {offsets = [13, 0, 0], sizes = [1, 32, 1024], strides = [1, 1, 1]} : vector<27x32x1024xbf16> to vector<1x32x1024xbf16>
    %squeeze3A_157 = vector.shape_cast %slice3A_156 : vector<1x32x1024xbf16> to vector<32x1024xbf16>
    %broadcast_in_dim3A_158 = vector.shape_cast %squeeze3A_157 : vector<32x1024xbf16> to vector<1x32x1024xbf16>
    %mul3A_159 = vector.broadcast %broadcast_in_dim3A_158 : vector<1x32x1024xbf16> to vector<13x32x1024xbf16>
    %mul3A_160 = arith.mulf %slice3A_155, %mul3A_159 : vector<13x32x1024xbf16>
    %convert_element_type3A_161 = arith.extf %mul3A_160 : vector<13x32x1024xbf16> to vector<13x32x1024xf32>
    %reduce_sum3A_162 = arith.constant dense<0.000000e+00> : vector<13x1024xf32>
    %reduce_sum3A_163 = vector.multi_reduction <add>, %convert_element_type3A_161, %reduce_sum3A_162 [1] : vector<13x32x1024xf32> to vector<13x1024xf32>
    %convert_element_type3A_164 = arith.truncf %reduce_sum3A_163 : vector<13x1024xf32> to vector<13x1024xbf16>
    %slice3A_165 = vector.extract_strided_slice %convert_element_type3A {offsets = [0, 0, 0], sizes = [14, 32, 1024], strides = [1, 1, 1]} : vector<27x32x1024xbf16> to vector<14x32x1024xbf16>
    %slice3A_166 = vector.extract_strided_slice %convert_element_type3A {offsets = [14, 0, 0], sizes = [1, 32, 1024], strides = [1, 1, 1]} : vector<27x32x1024xbf16> to vector<1x32x1024xbf16>
    %squeeze3A_167 = vector.shape_cast %slice3A_166 : vector<1x32x1024xbf16> to vector<32x1024xbf16>
    %broadcast_in_dim3A_168 = vector.shape_cast %squeeze3A_167 : vector<32x1024xbf16> to vector<1x32x1024xbf16>
    %mul3A_169 = vector.broadcast %broadcast_in_dim3A_168 : vector<1x32x1024xbf16> to vector<14x32x1024xbf16>
    %mul3A_170 = arith.mulf %slice3A_165, %mul3A_169 : vector<14x32x1024xbf16>
    %convert_element_type3A_171 = arith.extf %mul3A_170 : vector<14x32x1024xbf16> to vector<14x32x1024xf32>
    %reduce_sum3A_172 = arith.constant dense<0.000000e+00> : vector<14x1024xf32>
    %reduce_sum3A_173 = vector.multi_reduction <add>, %convert_element_type3A_171, %reduce_sum3A_172 [1] : vector<14x32x1024xf32> to vector<14x1024xf32>
    %convert_element_type3A_174 = arith.truncf %reduce_sum3A_173 : vector<14x1024xf32> to vector<14x1024xbf16>
    %slice3A_175 = vector.extract_strided_slice %convert_element_type3A {offsets = [0, 0, 0], sizes = [15, 32, 1024], strides = [1, 1, 1]} : vector<27x32x1024xbf16> to vector<15x32x1024xbf16>
    %slice3A_176 = vector.extract_strided_slice %convert_element_type3A {offsets = [15, 0, 0], sizes = [1, 32, 1024], strides = [1, 1, 1]} : vector<27x32x1024xbf16> to vector<1x32x1024xbf16>
    %squeeze3A_177 = vector.shape_cast %slice3A_176 : vector<1x32x1024xbf16> to vector<32x1024xbf16>
    %broadcast_in_dim3A_178 = vector.shape_cast %squeeze3A_177 : vector<32x1024xbf16> to vector<1x32x1024xbf16>
    %mul3A_179 = vector.broadcast %broadcast_in_dim3A_178 : vector<1x32x1024xbf16> to vector<15x32x1024xbf16>
    %mul3A_180 = arith.mulf %slice3A_175, %mul3A_179 : vector<15x32x1024xbf16>
    %convert_element_type3A_181 = arith.extf %mul3A_180 : vector<15x32x1024xbf16> to vector<15x32x1024xf32>
    %reduce_sum3A_182 = arith.constant dense<0.000000e+00> : vector<15x1024xf32>
    %reduce_sum3A_183 = vector.multi_reduction <add>, %convert_element_type3A_181, %reduce_sum3A_182 [1] : vector<15x32x1024xf32> to vector<15x1024xf32>
    %convert_element_type3A_184 = arith.truncf %reduce_sum3A_183 : vector<15x1024xf32> to vector<15x1024xbf16>
    %slice3A_185 = vector.extract_strided_slice %convert_element_type3A {offsets = [0, 0, 0], sizes = [16, 32, 1024], strides = [1, 1, 1]} : vector<27x32x1024xbf16> to vector<16x32x1024xbf16>
    %slice3A_186 = vector.extract_strided_slice %convert_element_type3A {offsets = [16, 0, 0], sizes = [1, 32, 1024], strides = [1, 1, 1]} : vector<27x32x1024xbf16> to vector<1x32x1024xbf16>
    %squeeze3A_187 = vector.shape_cast %slice3A_186 : vector<1x32x1024xbf16> to vector<32x1024xbf16>
    %broadcast_in_dim3A_188 = vector.shape_cast %squeeze3A_187 : vector<32x1024xbf16> to vector<1x32x1024xbf16>
    %mul3A_189 = vector.broadcast %broadcast_in_dim3A_188 : vector<1x32x1024xbf16> to vector<16x32x1024xbf16>
    %mul3A_190 = arith.mulf %slice3A_185, %mul3A_189 : vector<16x32x1024xbf16>
    %convert_element_type3A_191 = arith.extf %mul3A_190 : vector<16x32x1024xbf16> to vector<16x32x1024xf32>
    %reduce_sum3A_192 = arith.constant dense<0.000000e+00> : vector<16x1024xf32>
    %reduce_sum3A_193 = vector.multi_reduction <add>, %convert_element_type3A_191, %reduce_sum3A_192 [1] : vector<16x32x1024xf32> to vector<16x1024xf32>
    %convert_element_type3A_194 = arith.truncf %reduce_sum3A_193 : vector<16x1024xf32> to vector<16x1024xbf16>
    %slice3A_195 = vector.extract_strided_slice %convert_element_type3A {offsets = [0, 0, 0], sizes = [17, 32, 1024], strides = [1, 1, 1]} : vector<27x32x1024xbf16> to vector<17x32x1024xbf16>
    %slice3A_196 = vector.extract_strided_slice %convert_element_type3A {offsets = [17, 0, 0], sizes = [1, 32, 1024], strides = [1, 1, 1]} : vector<27x32x1024xbf16> to vector<1x32x1024xbf16>
    %squeeze3A_197 = vector.shape_cast %slice3A_196 : vector<1x32x1024xbf16> to vector<32x1024xbf16>
    %broadcast_in_dim3A_198 = vector.shape_cast %squeeze3A_197 : vector<32x1024xbf16> to vector<1x32x1024xbf16>
    %mul3A_199 = vector.broadcast %broadcast_in_dim3A_198 : vector<1x32x1024xbf16> to vector<17x32x1024xbf16>
    %mul3A_200 = arith.mulf %slice3A_195, %mul3A_199 : vector<17x32x1024xbf16>
    %convert_element_type3A_201 = arith.extf %mul3A_200 : vector<17x32x1024xbf16> to vector<17x32x1024xf32>
    %reduce_sum3A_202 = arith.constant dense<0.000000e+00> : vector<17x1024xf32>
    %reduce_sum3A_203 = vector.multi_reduction <add>, %convert_element_type3A_201, %reduce_sum3A_202 [1] : vector<17x32x1024xf32> to vector<17x1024xf32>
    %convert_element_type3A_204 = arith.truncf %reduce_sum3A_203 : vector<17x1024xf32> to vector<17x1024xbf16>
    %slice3A_205 = vector.extract_strided_slice %convert_element_type3A {offsets = [0, 0, 0], sizes = [18, 32, 1024], strides = [1, 1, 1]} : vector<27x32x1024xbf16> to vector<18x32x1024xbf16>
    %slice3A_206 = vector.extract_strided_slice %convert_element_type3A {offsets = [18, 0, 0], sizes = [1, 32, 1024], strides = [1, 1, 1]} : vector<27x32x1024xbf16> to vector<1x32x1024xbf16>
    %squeeze3A_207 = vector.shape_cast %slice3A_206 : vector<1x32x1024xbf16> to vector<32x1024xbf16>
    %broadcast_in_dim3A_208 = vector.shape_cast %squeeze3A_207 : vector<32x1024xbf16> to vector<1x32x1024xbf16>
    %mul3A_209 = vector.broadcast %broadcast_in_dim3A_208 : vector<1x32x1024xbf16> to vector<18x32x1024xbf16>
    %mul3A_210 = arith.mulf %slice3A_205, %mul3A_209 : vector<18x32x1024xbf16>
    %convert_element_type3A_211 = arith.extf %mul3A_210 : vector<18x32x1024xbf16> to vector<18x32x1024xf32>
    %reduce_sum3A_212 = arith.constant dense<0.000000e+00> : vector<18x1024xf32>
    %reduce_sum3A_213 = vector.multi_reduction <add>, %convert_element_type3A_211, %reduce_sum3A_212 [1] : vector<18x32x1024xf32> to vector<18x1024xf32>
    %convert_element_type3A_214 = arith.truncf %reduce_sum3A_213 : vector<18x1024xf32> to vector<18x1024xbf16>
    %slice3A_215 = vector.extract_strided_slice %convert_element_type3A {offsets = [0, 0, 0], sizes = [19, 32, 1024], strides = [1, 1, 1]} : vector<27x32x1024xbf16> to vector<19x32x1024xbf16>
    %slice3A_216 = vector.extract_strided_slice %convert_element_type3A {offsets = [19, 0, 0], sizes = [1, 32, 1024], strides = [1, 1, 1]} : vector<27x32x1024xbf16> to vector<1x32x1024xbf16>
    %squeeze3A_217 = vector.shape_cast %slice3A_216 : vector<1x32x1024xbf16> to vector<32x1024xbf16>
    %broadcast_in_dim3A_218 = vector.shape_cast %squeeze3A_217 : vector<32x1024xbf16> to vector<1x32x1024xbf16>
    %mul3A_219 = vector.broadcast %broadcast_in_dim3A_218 : vector<1x32x1024xbf16> to vector<19x32x1024xbf16>
    %mul3A_220 = arith.mulf %slice3A_215, %mul3A_219 : vector<19x32x1024xbf16>
    %convert_element_type3A_221 = arith.extf %mul3A_220 : vector<19x32x1024xbf16> to vector<19x32x1024xf32>
    %reduce_sum3A_222 = arith.constant dense<0.000000e+00> : vector<19x1024xf32>
    %reduce_sum3A_223 = vector.multi_reduction <add>, %convert_element_type3A_221, %reduce_sum3A_222 [1] : vector<19x32x1024xf32> to vector<19x1024xf32>
    %convert_element_type3A_224 = arith.truncf %reduce_sum3A_223 : vector<19x1024xf32> to vector<19x1024xbf16>
    %slice3A_225 = vector.extract_strided_slice %convert_element_type3A {offsets = [0, 0, 0], sizes = [20, 32, 1024], strides = [1, 1, 1]} : vector<27x32x1024xbf16> to vector<20x32x1024xbf16>
    %slice3A_226 = vector.extract_strided_slice %convert_element_type3A {offsets = [20, 0, 0], sizes = [1, 32, 1024], strides = [1, 1, 1]} : vector<27x32x1024xbf16> to vector<1x32x1024xbf16>
    %squeeze3A_227 = vector.shape_cast %slice3A_226 : vector<1x32x1024xbf16> to vector<32x1024xbf16>
    %broadcast_in_dim3A_228 = vector.shape_cast %squeeze3A_227 : vector<32x1024xbf16> to vector<1x32x1024xbf16>
    %mul3A_229 = vector.broadcast %broadcast_in_dim3A_228 : vector<1x32x1024xbf16> to vector<20x32x1024xbf16>
    %mul3A_230 = arith.mulf %slice3A_225, %mul3A_229 : vector<20x32x1024xbf16>
    %convert_element_type3A_231 = arith.extf %mul3A_230 : vector<20x32x1024xbf16> to vector<20x32x1024xf32>
    %reduce_sum3A_232 = arith.constant dense<0.000000e+00> : vector<20x1024xf32>
    %reduce_sum3A_233 = vector.multi_reduction <add>, %convert_element_type3A_231, %reduce_sum3A_232 [1] : vector<20x32x1024xf32> to vector<20x1024xf32>
    %convert_element_type3A_234 = arith.truncf %reduce_sum3A_233 : vector<20x1024xf32> to vector<20x1024xbf16>
    %slice3A_235 = vector.extract_strided_slice %convert_element_type3A {offsets = [0, 0, 0], sizes = [21, 32, 1024], strides = [1, 1, 1]} : vector<27x32x1024xbf16> to vector<21x32x1024xbf16>
    %slice3A_236 = vector.extract_strided_slice %convert_element_type3A {offsets = [21, 0, 0], sizes = [1, 32, 1024], strides = [1, 1, 1]} : vector<27x32x1024xbf16> to vector<1x32x1024xbf16>
    %squeeze3A_237 = vector.shape_cast %slice3A_236 : vector<1x32x1024xbf16> to vector<32x1024xbf16>
    %broadcast_in_dim3A_238 = vector.shape_cast %squeeze3A_237 : vector<32x1024xbf16> to vector<1x32x1024xbf16>
    %mul3A_239 = vector.broadcast %broadcast_in_dim3A_238 : vector<1x32x1024xbf16> to vector<21x32x1024xbf16>
    %mul3A_240 = arith.mulf %slice3A_235, %mul3A_239 : vector<21x32x1024xbf16>
    %convert_element_type3A_241 = arith.extf %mul3A_240 : vector<21x32x1024xbf16> to vector<21x32x1024xf32>
    %reduce_sum3A_242 = arith.constant dense<0.000000e+00> : vector<21x1024xf32>
    %reduce_sum3A_243 = vector.multi_reduction <add>, %convert_element_type3A_241, %reduce_sum3A_242 [1] : vector<21x32x1024xf32> to vector<21x1024xf32>
    %convert_element_type3A_244 = arith.truncf %reduce_sum3A_243 : vector<21x1024xf32> to vector<21x1024xbf16>
    %slice3A_245 = vector.extract_strided_slice %convert_element_type3A {offsets = [0, 0, 0], sizes = [22, 32, 1024], strides = [1, 1, 1]} : vector<27x32x1024xbf16> to vector<22x32x1024xbf16>
    %slice3A_246 = vector.extract_strided_slice %convert_element_type3A {offsets = [22, 0, 0], sizes = [1, 32, 1024], strides = [1, 1, 1]} : vector<27x32x1024xbf16> to vector<1x32x1024xbf16>
    %squeeze3A_247 = vector.shape_cast %slice3A_246 : vector<1x32x1024xbf16> to vector<32x1024xbf16>
    %broadcast_in_dim3A_248 = vector.shape_cast %squeeze3A_247 : vector<32x1024xbf16> to vector<1x32x1024xbf16>
    %mul3A_249 = vector.broadcast %broadcast_in_dim3A_248 : vector<1x32x1024xbf16> to vector<22x32x1024xbf16>
    %mul3A_250 = arith.mulf %slice3A_245, %mul3A_249 : vector<22x32x1024xbf16>
    %convert_element_type3A_251 = arith.extf %mul3A_250 : vector<22x32x1024xbf16> to vector<22x32x1024xf32>
    %reduce_sum3A_252 = arith.constant dense<0.000000e+00> : vector<22x1024xf32>
    %reduce_sum3A_253 = vector.multi_reduction <add>, %convert_element_type3A_251, %reduce_sum3A_252 [1] : vector<22x32x1024xf32> to vector<22x1024xf32>
    %convert_element_type3A_254 = arith.truncf %reduce_sum3A_253 : vector<22x1024xf32> to vector<22x1024xbf16>
    %slice3A_255 = vector.extract_strided_slice %convert_element_type3A {offsets = [0, 0, 0], sizes = [23, 32, 1024], strides = [1, 1, 1]} : vector<27x32x1024xbf16> to vector<23x32x1024xbf16>
    %slice3A_256 = vector.extract_strided_slice %convert_element_type3A {offsets = [23, 0, 0], sizes = [1, 32, 1024], strides = [1, 1, 1]} : vector<27x32x1024xbf16> to vector<1x32x1024xbf16>
    %squeeze3A_257 = vector.shape_cast %slice3A_256 : vector<1x32x1024xbf16> to vector<32x1024xbf16>
    %broadcast_in_dim3A_258 = vector.shape_cast %squeeze3A_257 : vector<32x1024xbf16> to vector<1x32x1024xbf16>
    %mul3A_259 = vector.broadcast %broadcast_in_dim3A_258 : vector<1x32x1024xbf16> to vector<23x32x1024xbf16>
    %mul3A_260 = arith.mulf %slice3A_255, %mul3A_259 : vector<23x32x1024xbf16>
    %convert_element_type3A_261 = arith.extf %mul3A_260 : vector<23x32x1024xbf16> to vector<23x32x1024xf32>
    %reduce_sum3A_262 = arith.constant dense<0.000000e+00> : vector<23x1024xf32>
    %reduce_sum3A_263 = vector.multi_reduction <add>, %convert_element_type3A_261, %reduce_sum3A_262 [1] : vector<23x32x1024xf32> to vector<23x1024xf32>
    %convert_element_type3A_264 = arith.truncf %reduce_sum3A_263 : vector<23x1024xf32> to vector<23x1024xbf16>
    %slice3A_265 = vector.extract_strided_slice %convert_element_type3A {offsets = [0, 0, 0], sizes = [24, 32, 1024], strides = [1, 1, 1]} : vector<27x32x1024xbf16> to vector<24x32x1024xbf16>
    %slice3A_266 = vector.extract_strided_slice %convert_element_type3A {offsets = [24, 0, 0], sizes = [1, 32, 1024], strides = [1, 1, 1]} : vector<27x32x1024xbf16> to vector<1x32x1024xbf16>
    %squeeze3A_267 = vector.shape_cast %slice3A_266 : vector<1x32x1024xbf16> to vector<32x1024xbf16>
    %broadcast_in_dim3A_268 = vector.shape_cast %squeeze3A_267 : vector<32x1024xbf16> to vector<1x32x1024xbf16>
    %mul3A_269 = vector.broadcast %broadcast_in_dim3A_268 : vector<1x32x1024xbf16> to vector<24x32x1024xbf16>
    %mul3A_270 = arith.mulf %slice3A_265, %mul3A_269 : vector<24x32x1024xbf16>
    %convert_element_type3A_271 = arith.extf %mul3A_270 : vector<24x32x1024xbf16> to vector<24x32x1024xf32>
    %reduce_sum3A_272 = arith.constant dense<0.000000e+00> : vector<24x1024xf32>
    %reduce_sum3A_273 = vector.multi_reduction <add>, %convert_element_type3A_271, %reduce_sum3A_272 [1] : vector<24x32x1024xf32> to vector<24x1024xf32>
    %convert_element_type3A_274 = arith.truncf %reduce_sum3A_273 : vector<24x1024xf32> to vector<24x1024xbf16>
    %slice3A_275 = vector.extract_strided_slice %convert_element_type3A {offsets = [0, 0, 0], sizes = [25, 32, 1024], strides = [1, 1, 1]} : vector<27x32x1024xbf16> to vector<25x32x1024xbf16>
    %slice3A_276 = vector.extract_strided_slice %convert_element_type3A {offsets = [25, 0, 0], sizes = [1, 32, 1024], strides = [1, 1, 1]} : vector<27x32x1024xbf16> to vector<1x32x1024xbf16>
    %squeeze3A_277 = vector.shape_cast %slice3A_276 : vector<1x32x1024xbf16> to vector<32x1024xbf16>
    %broadcast_in_dim3A_278 = vector.shape_cast %squeeze3A_277 : vector<32x1024xbf16> to vector<1x32x1024xbf16>
    %mul3A_279 = vector.broadcast %broadcast_in_dim3A_278 : vector<1x32x1024xbf16> to vector<25x32x1024xbf16>
    %mul3A_280 = arith.mulf %slice3A_275, %mul3A_279 : vector<25x32x1024xbf16>
    %convert_element_type3A_281 = arith.extf %mul3A_280 : vector<25x32x1024xbf16> to vector<25x32x1024xf32>
    %reduce_sum3A_282 = arith.constant dense<0.000000e+00> : vector<25x1024xf32>
    %reduce_sum3A_283 = vector.multi_reduction <add>, %convert_element_type3A_281, %reduce_sum3A_282 [1] : vector<25x32x1024xf32> to vector<25x1024xf32>
    %convert_element_type3A_284 = arith.truncf %reduce_sum3A_283 : vector<25x1024xf32> to vector<25x1024xbf16>
    %slice3A_285 = vector.extract_strided_slice %convert_element_type3A {offsets = [0, 0, 0], sizes = [26, 32, 1024], strides = [1, 1, 1]} : vector<27x32x1024xbf16> to vector<26x32x1024xbf16>
    %slice3A_286 = vector.extract_strided_slice %convert_element_type3A {offsets = [26, 0, 0], sizes = [1, 32, 1024], strides = [1, 1, 1]} : vector<27x32x1024xbf16> to vector<1x32x1024xbf16>
    %squeeze3A_287 = vector.shape_cast %slice3A_286 : vector<1x32x1024xbf16> to vector<32x1024xbf16>
    %broadcast_in_dim3A_288 = vector.shape_cast %squeeze3A_287 : vector<32x1024xbf16> to vector<1x32x1024xbf16>
    %mul3A_289 = vector.broadcast %broadcast_in_dim3A_288 : vector<1x32x1024xbf16> to vector<26x32x1024xbf16>
    %mul3A_290 = arith.mulf %slice3A_285, %mul3A_289 : vector<26x32x1024xbf16>
    %convert_element_type3A_291 = arith.extf %mul3A_290 : vector<26x32x1024xbf16> to vector<26x32x1024xf32>
    %reduce_sum3A_292 = arith.constant dense<0.000000e+00> : vector<26x1024xf32>
    %reduce_sum3A_293 = vector.multi_reduction <add>, %convert_element_type3A_291, %reduce_sum3A_292 [1] : vector<26x32x1024xf32> to vector<26x1024xf32>
    %convert_element_type3A_294 = arith.truncf %reduce_sum3A_293 : vector<26x1024xf32> to vector<26x1024xbf16>
    %concatenate3A_295 = tpu.concatenate %convert_element_type3A_44, %convert_element_type3A_54, %convert_element_type3A_64, %convert_element_type3A_74, %convert_element_type3A_84, %convert_element_type3A_94, %convert_element_type3A_104, %convert_element_type3A_114, %convert_element_type3A_124, %convert_element_type3A_134, %convert_element_type3A_144, %convert_element_type3A_154, %convert_element_type3A_164, %convert_element_type3A_174, %convert_element_type3A_184, %convert_element_type3A_194, %convert_element_type3A_204, %convert_element_type3A_214, %convert_element_type3A_224, %convert_element_type3A_234, %convert_element_type3A_244, %convert_element_type3A_254, %convert_element_type3A_264, %convert_element_type3A_274, %convert_element_type3A_284, %convert_element_type3A_294 in 0 : vector<1x1024xbf16>, vector<2x1024xbf16>, vector<3x1024xbf16>, vector<4x1024xbf16>, vector<5x1024xbf16>, vector<6x1024xbf16>, vector<7x1024xbf16>, vector<8x1024xbf16>, vector<9x1024xbf16>, vector<10x1024xbf16>, vector<11x1024xbf16>, vector<12x1024xbf16>, vector<13x1024xbf16>, vector<14x1024xbf16>, vector<15x1024xbf16>, vector<16x1024xbf16>, vector<17x1024xbf16>, vector<18x1024xbf16>, vector<19x1024xbf16>, vector<20x1024xbf16>, vector<21x1024xbf16>, vector<22x1024xbf16>, vector<23x1024xbf16>, vector<24x1024xbf16>, vector<25x1024xbf16>, vector<26x1024xbf16> -> vector<351x1024xbf16>
    %get3A_296 = arith.constant 0 : index
    %get3A_297 = arith.constant 0 : index
    %get3A_298 = vector.load %arg9[%get3A_296, %get3A_297] : memref<512x32xf32, #tpu.memory_space<vmem>>, vector<512x32xf32>
    %dot_general3A_299 = arith.constant dense<0.000000e+00> : vector<512x1024xf32>
    %dot_general3A_300 = tpu.matmul %get3A_298, %max3A_37, %dot_general3A_299 {dimension_numbers = #tpu.dot_dimension_numbers<[1], [0], [0], [1], [0, 0, 1, 1], [], []>, transpose_lhs_hint = false} : vector<512x32xf32>, vector<32x1024xf32>, vector<512x1024xf32> -> vector<512x1024xf32>
    %get3A_301 = arith.constant 0 : index
    %get3A_302 = arith.constant 0 : index
    %get3A_303 = vector.load %arg10[%get3A_301, %get3A_302] : memref<512x351xf32, #tpu.memory_space<vmem>>, vector<512x351xf32>
    %convert_element_type3A_304 = arith.truncf %get3A_303 : vector<512x351xf32> to vector<512x351xbf16>
    %dot_general3A_305 = arith.constant dense<0.000000e+00> : vector<512x1024xf32>
    %dot_general3A_306 = tpu.matmul %convert_element_type3A_304, %concatenate3A_295, %dot_general3A_305 {dimension_numbers = #tpu.dot_dimension_numbers<[1], [0], [0], [1], [0, 0, 1, 1], [], []>, transpose_lhs_hint = false} : vector<512x351xbf16>, vector<351x1024xbf16>, vector<512x1024xf32> -> vector<512x1024xf32>
    %add3A_307 = arith.addf %dot_general3A_300, %dot_general3A_306 : vector<512x1024xf32>
    %get3A_308 = arith.constant 0 : index
    %get3A_309 = arith.constant 0 : index
    %get3A_310 = vector.load %arg11[%get3A_308, %get3A_309] : memref<512x1xf32, #tpu.memory_space<vmem>>, vector<512x1xf32>
    %add3A_311 = vector.broadcast %get3A_310 : vector<512x1xf32> to vector<512x1024xf32>
    %add3A_312 = arith.addf %add3A_307, %add3A_311 : vector<512x1024xf32>
    %max3A_313 = arith.constant 0.000000e+00 : f32
    %max3A_314 = vector.broadcast %max3A_313 : f32 to vector<512x1024xf32>
    %max3A_315 = arith.maximumf %add3A_312, %max3A_314 : vector<512x1024xf32>
    %get3A_316 = arith.constant 0 : index
    %get3A_317 = arith.constant 0 : index
    %get3A_318 = vector.load %arg12[%get3A_316, %get3A_317] : memref<256x512xf32, #tpu.memory_space<vmem>>, vector<256x512xf32>
    %convert_element_type3A_319 = arith.truncf %get3A_318 : vector<256x512xf32> to vector<256x512xbf16>
    %convert_element_type3A_320 = arith.truncf %max3A_315 : vector<512x1024xf32> to vector<512x1024xbf16>
    %dot_general3A_321 = arith.constant dense<0.000000e+00> : vector<256x1024xf32>
    %dot_general3A_322 = tpu.matmul %convert_element_type3A_319, %convert_element_type3A_320, %dot_general3A_321 {dimension_numbers = #tpu.dot_dimension_numbers<[1], [0], [0], [1], [0, 0, 1, 1], [], []>, transpose_lhs_hint = false} : vector<256x512xbf16>, vector<512x1024xbf16>, vector<256x1024xf32> -> vector<256x1024xf32>
    %get3A_323 = arith.constant 0 : index
    %get3A_324 = arith.constant 0 : index
    %get3A_325 = vector.load %arg13[%get3A_323, %get3A_324] : memref<256x1xf32, #tpu.memory_space<vmem>>, vector<256x1xf32>
    %add3A_326 = vector.broadcast %get3A_325 : vector<256x1xf32> to vector<256x1024xf32>
    %add3A_327 = arith.addf %dot_general3A_322, %add3A_326 : vector<256x1024xf32>
    %max3A_328 = arith.constant 0.000000e+00 : f32
    %max3A_329 = vector.broadcast %max3A_328 : f32 to vector<256x1024xf32>
    %max3A_330 = arith.maximumf %add3A_327, %max3A_329 : vector<256x1024xf32>
    %get3A_331 = arith.constant 0 : index
    %get3A_332 = arith.constant 0 : index
    %get3A_333 = vector.load %arg14[%get3A_331, %get3A_332] : memref<1x256xf32, #tpu.memory_space<vmem>>, vector<1x256xf32>
    %dot_general3A_334 = arith.constant dense<0.000000e+00> : vector<1x1024xf32>
    %dot_general3A_335 = tpu.matmul %get3A_333, %max3A_330, %dot_general3A_334 {dimension_numbers = #tpu.dot_dimension_numbers<[1], [0], [0], [1], [0, 0, 1, 1], [], []>, transpose_lhs_hint = false} : vector<1x256xf32>, vector<256x1024xf32>, vector<1x1024xf32> -> vector<1x1024xf32>
    %get3A_336 = arith.constant 0 : index
    %get3A_337 = arith.constant 0 : index
    %get3A_338 = vector.load %arg15[%get3A_336, %get3A_337] : memref<1x1xf32, #tpu.memory_space<vmem>>, vector<1x1xf32>
    %add3A_339 = vector.broadcast %get3A_338 : vector<1x1xf32> to vector<1x1024xf32>
    %add3A_340 = arith.addf %dot_general3A_335, %add3A_339 : vector<1x1024xf32>
    %neg3A = arith.constant 0.000000e+00 : f32
    %neg3A_341 = vector.broadcast %neg3A : f32 to vector<1x1024xf32>
    %neg3A_342 = arith.subf %neg3A_341, %add3A_340 : vector<1x1024xf32>
    %exp3A = math.exp %neg3A_342 : vector<1x1024xf32>
    %add3A_343 = arith.constant 1.000000e+00 : f32
    %add3A_344 = vector.broadcast %add3A_343 : f32 to vector<1x1024xf32>
    %add3A_345 = arith.addf %add3A_344, %exp3A : vector<1x1024xf32>
    %div3A = arith.constant 1.000000e+00 : f32
    %div3A_346 = vector.broadcast %div3A : f32 to vector<1x1024xf32>
    %div3A_347 = arith.divf %div3A_346, %add3A_345 : vector<1x1024xf32>
    %swap3A = arith.constant 0 : index
    %swap3A_348 = arith.constant 0 : index
    %swap3A_349 = vector.load %arg16[%swap3A, %swap3A_348] : memref<1x1024xf32, #tpu.memory_space<vmem>>, vector<1x1024xf32>
    tpu.vector_store %arg16[%swap3A, %swap3A_348], %div3A_347 {strides = array<i32>} : memref<1x1024xf32, #tpu.memory_space<vmem>>, vector<1x1024xf32>,
    return
  }
  func.func @transform_0(%arg0: i32) -> (i32, i32) {
    %c0_i32 = arith.constant 0 : i32
    %c0_i32_0 = arith.constant 0 : i32
    return %c0_i32, %arg0 : i32, i32
  }
  func.func @transform_1(%arg0: i32) -> (i32, i32) {
    %c0_i32 = arith.constant 0 : i32
    %c0_i32_0 = arith.constant 0 : i32
    return %c0_i32, %arg0 : i32, i32
  }
  func.func @transform_2(%arg0: i32) -> (i32, i32) {
    %c0_i32 = arith.constant 0 : i32
    %c0_i32_0 = arith.constant 0 : i32
    %c0_i32_1 = arith.constant 0 : i32
    return %c0_i32, %c0_i32_0 : i32, i32
  }
  func.func @transform_3(%arg0: i32) -> (i32, i32) {
    %c0_i32 = arith.constant 0 : i32
    %c0_i32_0 = arith.constant 0 : i32
    %c0_i32_1 = arith.constant 0 : i32
    return %c0_i32, %c0_i32_0 : i32, i32
  }
  func.func @transform_4(%arg0: i32) -> (i32, i32) {
    %c0_i32 = arith.constant 0 : i32
    %c0_i32_0 = arith.constant 0 : i32
    %c0_i32_1 = arith.constant 0 : i32
    return %c0_i32, %c0_i32_0 : i32, i32
  }
  func.func @transform_5(%arg0: i32) -> (i32, i32) {
    %c0_i32 = arith.constant 0 : i32
    %c0_i32_0 = arith.constant 0 : i32
    %c0_i32_1 = arith.constant 0 : i32
    return %c0_i32, %c0_i32_0 : i32, i32
  }
  func.func @transform_6(%arg0: i32) -> (i32, i32) {
    %c0_i32 = arith.constant 0 : i32
    %c0_i32_0 = arith.constant 0 : i32
    %c0_i32_1 = arith.constant 0 : i32
    return %c0_i32, %c0_i32_0 : i32, i32
  }
  func.func @transform_7(%arg0: i32) -> (i32, i32) {
    %c0_i32 = arith.constant 0 : i32
    %c0_i32_0 = arith.constant 0 : i32
    %c0_i32_1 = arith.constant 0 : i32
    return %c0_i32, %c0_i32_0 : i32, i32
  }
  func.func @transform_8(%arg0: i32) -> (i32, i32) {
    %c0_i32 = arith.constant 0 : i32
    %c0_i32_0 = arith.constant 0 : i32
    %c0_i32_1 = arith.constant 0 : i32
    return %c0_i32, %c0_i32_0 : i32, i32
  }
  func.func @transform_9(%arg0: i32) -> (i32, i32) {
    %c0_i32 = arith.constant 0 : i32
    %c0_i32_0 = arith.constant 0 : i32
    %c0_i32_1 = arith.constant 0 : i32
    return %c0_i32, %c0_i32_0 : i32, i32
  }
  func.func @transform_10(%arg0: i32) -> (i32, i32) {
    %c0_i32 = arith.constant 0 : i32
    %c0_i32_0 = arith.constant 0 : i32
    %c0_i32_1 = arith.constant 0 : i32
    return %c0_i32, %c0_i32_0 : i32, i32
  }
  func.func @transform_11(%arg0: i32) -> (i32, i32) {
    %c0_i32 = arith.constant 0 : i32
    %c0_i32_0 = arith.constant 0 : i32
    %c0_i32_1 = arith.constant 0 : i32
    return %c0_i32, %c0_i32_0 : i32, i32
  }
  func.func @transform_12(%arg0: i32) -> (i32, i32) {
    %c0_i32 = arith.constant 0 : i32
    %c0_i32_0 = arith.constant 0 : i32
    %c0_i32_1 = arith.constant 0 : i32
    return %c0_i32, %c0_i32_0 : i32, i32
  }
  func.func @transform_13(%arg0: i32) -> (i32, i32) {
    %c0_i32 = arith.constant 0 : i32
    %c0_i32_0 = arith.constant 0 : i32
    %c0_i32_1 = arith.constant 0 : i32
    return %c0_i32, %c0_i32_0 : i32, i32
  }
  func.func @transform_14(%arg0: i32) -> (i32, i32) {
    %c0_i32 = arith.constant 0 : i32
    %c0_i32_0 = arith.constant 0 : i32
    %c0_i32_1 = arith.constant 0 : i32
    return %c0_i32, %c0_i32_0 : i32, i32
  }
  func.func @transform_15(%arg0: i32) -> (i32, i32) {
    %c0_i32 = arith.constant 0 : i32
    %c0_i32_0 = arith.constant 0 : i32
    return %c0_i32, %arg0 : i32, i32
  }
}

</mosaic_0001>

<sc_bundles>
// kernel: kernel.4.cloned.1.call-start
scs
__scs_entry_jumppad:
0x0: {  	(pc) =	sbr.rel $0x88, $3  }
0x1: {  	(tag) =	ssettag $0x0;
	lr =	simm.s32 $0x1  }
0x2: {  	[smem:$0x3F92] =	sst lr;
	_ =	strace $0xD0000000  }
0x3: {  	_ = 	snop  }
0x4: {  	_ = 	snop  }
0x5: {  	_ = 	snop  }
0x6: {  	_ = 	snop  }
0x7: {  	_ = 	snop  }
__scs_overlays_trampoline_lowered:
0x8: {  	[smem:$0x3FA1] =	sst s0  }
0x9: {  	[smem:$0x3FA2] =	sst s1  }
0xa: {  	[smem:$0x3FA3] =	sst s2  }
0xb: {  	[smem:$0x3FA4] =	sst s3  }
0xc: {  	[smem:$0x3FA5] =	sst s4  }
0xd: {  	[smem:$0x3FA6] =	sst s5  }
0xe: {  	[smem:$0x3FA7] =	sst s6  }
0xf: {  	[smem:$0x3FA8] =	sst s7  }
0x10: {  	[smem:$0x3FA9] =	sst s8  }
0x11: {  	[smem:$0x3FAA] =	sst s9;
	s0 =	simm.s32 @!p0 $0x0  }
0x12: {  	s1 =	sld [smem:$0x3F90];
	s0 =	simm.s32 @p0 $0x1  }
0x13: {  	[smem:$0x3FAB] =	sst s0;
	s0 =	simm.s32 @!p1 $0x0  }
0x14: {  	s2 =	sld [smem:$0x3F8F];
	s0 =	simm.s32 @p1 $0x1  }
0x15: {  	[smem:$0x3FAC] =	sst s0;
	s0 =	simm.s32 @!p2 $0x0  }
0x16: {  	s3 =	sld [smem:$0x3FDB];
	s0 =	simm.s32 @p2 $0x1  }
0x17: {  	s4 =	simm.s32 $0x1BF5;
	[smem:$0x3FAE] =	sst s0  }
0x18: {  	s0 =	sld [smem:$0x3F91];
	_ =	swait.ge [sflag:s4], $0x0  }
0x19: {  	s7 =	sld [smem:$0x3F92]  }
0x1a: {  	s8 =	sadd.s32 $0xFFFFE003, lr  }
0x1b: {  	s9 =	sadd.s32 $0xFFFFFEF7, lr;
	s5 =	simm.s32 $0xFFFFFFFF;
	p2 =	slt.u32 s8, $0xFFFFF086  }
0x1c: {  	p1 =	slt.u32 s9, $0xF7A;
	s5 =	simm.s32 @!p2 $0x0  }
0x1d: {  	s5 =	simm.s32 @p1 $0x1;
	p0 =	seq.s32 s7, s2  }
0x1e: {  	s7 =	smul.u32 @!p0 $0xF7A, s2;
	p2 =	seq.s32 @!p0 s5, $0x0  }
0x1f: {  	s9 =	smul.u32 $0xF7A, s1;
	s8 =	simm.s32 @!p0 $0x1BF5;
	p2 =	por !p2, p0  }
0x20: {  	[sflag:s8] =	ssyncset.s32 @!p0 $0xFFFFF086;
	s6 =	sadd.s32 @!p0 s3, s7;
	s7 =	simm.s32 @!p0 $0x108  }
0x21: {  	s3 =	sadd.s32 s3, s9;
	s6 =	sadd.s32 @!p0 $0x88, s6;
	s7 =	simm.s32 @p2 $0x1082  }
0x22: {  	[simem:s7], [sflag:s8] =	dma.local @!p0 [hbm:s6], $0xF7A  }
0x23: {  	s9 =	sor.u32 $0xD0000000, s2;
	s6 =	simm.s32 $0x108;
	_ =	swait.ge @!p0 [sflag:s8], $0x0  }
0x24: {  	s3 =	sadd.s32 $0x88, s3;
	s6 =	simm.s32 @!p1 $0x1082;
	[sflag:s4] =	ssyncset.s32 $0xFFFFF086  }
0x25: {  	[simem:s6], [sflag:s4] =	dma.local [hbm:s3], $0xF7A  }
0x26: {  	[smem:$0x3F92] =	sst s1;
	(tag) =	ssettag s2;
	_ =	strace s9  }
0x27: {  	s1 =	sld [smem:$0x3FA2]  }
0x28: {  	s2 =	sld [smem:$0x3FA3]  }
0x29: {  	s4 =	sld [smem:$0x3FA5]  }
0x2a: {  	p0 =	seq.s32 s5, $0x0;
	s5 =	sld [smem:$0x3FA6]  }
0x2b: {  	s6 =	sld [smem:$0x3FA7]  }
0x2c: {  	s7 =	sld [smem:$0x3FA8]  }
0x2d: {  	s3 =	simm.s32 $0x108;
	s8 =	sld [smem:$0x3FA9]  }
0x2e: {  	s3 =	simm.s32 @!p0 $0x1082;
	s9 =	sld [smem:$0x3FAA]  }
0x2f: {  	lr =	sadd.s32 s0, s3;
	s0 =	sld [smem:$0x3FA1]  }
0x30: {  	s3 =	sld [smem:$0x3FA4]  }
0x31: {  	[smem:$0x3FAD] =	sst s10  }
0x32: {  	s10 =	sld [smem:$0x3FAB];
	_ =	sdelay $0x3  }
0x33: {  	p0 =	seq.s32 s10, $0x1;
	s10 =	sld [smem:$0x3FAD];
	_ =	sdelay $0x3  }
0x34: {  	[smem:$0x3FAD] =	sst s10  }
0x35: {  	s10 =	sld [smem:$0x3FAC];
	_ =	sdelay $0x3  }
0x36: {  	p1 =	seq.s32 s10, $0x1;
	s10 =	sld [smem:$0x3FAD];
	_ =	sdelay $0x3  }
0x37: {  	[smem:$0x3FAD] =	sst s10  }
0x38: {  	s10 =	sld [smem:$0x3FAE]  }
0x39: {  	_ = 	snop;
	(pc) =	sbr.ind lr, $3  }
0x3a: {  	_ = 	snop  }
0x3b: {  	_ = 	snop  }
0x3c: {  	p2 =	seq.s32 s10, $0x1;
	s10 =	sld [smem:$0x3FAD]  }
0x3d: {  	_ =	shalt  }
0x3e: {  	_ =	shalt  }
0x3f: {  	_ =	shalt  }
0x40: {  	_ =	shalt  }
0x41: {  	_ =	shalt  }
0x42: {  	_ =	shalt  }
0x43: {  	_ =	shalt  }
0x44: {  	_ =	shalt  }
0x45: {  	_ =	shalt  }
0x46: {  	_ =	shalt  }
0x47: {  	_ =	shalt  }
0x48: {  	_ =	shalt  }
0x49: {  	_ =	shalt  }
0x4a: {  	_ =	shalt  }
0x4b: {  	_ =	shalt  }
0x4c: {  	_ =	shalt  }
0x4d: {  	_ =	shalt  }
0x4e: {  	_ =	shalt  }
0x4f: {  	_ =	shalt  }
0x50: {  	_ =	shalt  }
0x51: {  	_ =	shalt  }
0x52: {  	_ =	shalt  }
0x53: {  	_ =	shalt  }
0x54: {  	_ =	shalt  }
0x55: {  	_ =	shalt  }
0x56: {  	_ =	shalt  }
0x57: {  	_ =	shalt  }
0x58: {  	_ =	shalt  }
0x59: {  	_ =	shalt  }
0x5a: {  	_ =	shalt  }
0x5b: {  	_ =	shalt  }
0x5c: {  	_ =	shalt  }
0x5d: {  	_ =	shalt  }
0x5e: {  	_ =	shalt  }
0x5f: {  	_ =	shalt  }
0x60: {  	_ =	shalt  }
0x61: {  	_ =	shalt  }
0x62: {  	_ =	shalt  }
0x63: {  	_ =	shalt  }
0x64: {  	_ =	shalt  }
0x65: {  	_ =	shalt  }
0x66: {  	_ =	shalt  }
0x67: {  	_ =	shalt  }
0x68: {  	_ =	shalt  }
0x69: {  	_ =	shalt  }
0x6a: {  	_ =	shalt  }
0x6b: {  	_ =	shalt  }
0x6c: {  	_ =	shalt  }
0x6d: {  	_ =	shalt  }
0x6e: {  	_ =	shalt  }
0x6f: {  	_ =	shalt  }
0x70: {  	_ =	shalt  }
0x71: {  	_ =	shalt  }
0x72: {  	_ =	shalt  }
0x73: {  	_ =	shalt  }
0x74: {  	_ =	shalt  }
0x75: {  	_ =	shalt  }
0x76: {  	_ =	shalt  }
0x77: {  	_ =	shalt  }
0x78: {  	_ =	shalt  }
0x79: {  	_ =	shalt  }
0x7a: {  	_ =	shalt  }
0x7b: {  	_ =	shalt  }
0x7c: {  	_ =	shalt  }
0x7d: {  	_ =	shalt  }
0x7e: {  	_ =	shalt  }
0x7f: {  	_ =	shalt  }
0x80: {  	_ =	shalt  }
0x81: {  	_ =	shalt  }
0x82: {  	_ =	shalt  }
0x83: {  	_ =	shalt  }
0x84: {  	_ =	shalt  }
0x85: {  	_ =	shalt  }
0x86: {  	_ =	shalt  }
0x87: {  	_ =	shalt  }
.Lfunc_end0:
.L_simem_size_0:
called_computation_lowered:
.L_overlay_start_0:
0x88: {  	s2 =	sld [smem:$0x3FD9]  }
0x89: {  	s3 =	sld [smem:$0x3FFE];
	_ =	sdelay $0x1  }
0x8a: {  	s1 =	srdreg.scid  }
0x8b: {  	s0 =	sand.u32 $0x1, s1  }
0x8c: {  	s17 =	sshll.u32 s0, $0xA;
	s2 =	sadd.s32 s3, s2  }
0x8d: {  	s2 =	sadd.s32 s2, s17  }
0x8e: {  	[smem:$0x3FB9] =	sst s2  }
0x8f: {  	_ = 	snop  }
0x90: {  	s2 =	sld [smem:$0x3FC8]  }
0x91: {  	s18 =	sld [smem:$0x3FC7];
	(tm) =	ssettm $0x1  }
0x92: {  	s4 =	sld [smem:$0x3FFB];
	_ =	sdelay $0x3  }
0x93: {  	_ =	strace s4  }
0x94: {  	s4 =	sld [smem:$0x3FFC];
	_ =	sdelay $0x3  }
0x95: {  	_ =	strace s4  }
0x96: {  	s4 =	sld [smem:$0x3FFD];
	_ =	sdelay $0x3  }
0x97: {  	_ =	strace s4  }
0x98: {  	_ =	strace $0x8FFFFFFF  }
0x99: {  	s19 =	sld [smem:$0x3FDB];
	_ =	sdelay $0x1  }
0x9a: {  	s5 =	simm.s32 $_scs_section_size  }
0x9b: {  	s6 =	simm.s32 $_size__tile_overlayer_lowered;
	s7 =	simm.s32 $_tile_overlayer_lowered  }
0x9c: {  	s22 =	simm.s32 $0x1BFF;
	s21 =	sshll.u32 s7, $0x1;
	s4 =	sadd.s32 s5, s19  }
0x9d: {  	s8 =	simm.s32 $0x0;
	s20 =	sshll.u32 s6, $0x1;
	s6 =	sadd.s32 s21, s4  }
0x9e: {  	[timem:s8], [sflag:s22] =	dma.local [hbm:s6], s20  }
0x9f: {  	_ =	swait.ge [sflag:s22], s20  }
0xa0: {  	s5 =	ssub.s32 $0x0, s20;
	[sflag:s22] =	ssyncset.done $0x0  }
0xa1: {  	[sflag:s22] =	ssyncadd.s32 s5;
	_ =	sdelay $0x1  }
0xa2: {  	s23 =	simm.s32 $0x1B8B  }
0xa3: {  	_ =	swait.ge [sflag:s23], $0x1  }
0xa4: {  	[sflag:s23] =	ssyncset.done $0x0  }
0xa5: {  	s25 =	simm.s32 $0x1B8E;
	s24 =	sld [smem:$0x3FFE];
	[sflag:s23] =	ssyncadd.s32 $0xFFFFFFFF  }
0xa6: {  	s26 =	simm.s32 $execute0_lowered;
	[smem:$0x3FD2] =	sst s25  }
0xa7: {  	s6 =	sshll.u32 s26, $0x1;
	_ =	strace $0x80000046;
	[dreg:$0x1] =	wrdreg $0xFFFFFFFF  }
0xa8: {  	s28 =	simm.s32 $_size_execute0_lowered;
	s4 =	sadd.s32 s4, s6;
	[dreg:$0x0] =	wrdreg $0x0  }
0xa9: {  	s6 =	sshll.u32 s28, $0x1;
	[dreg:$0x2] =	wrdreg s4  }
0xaa: {  	[dreg:$0x3] =	wrdreg s6  }
0xab: {  	[dreg:$0x4] =	wrdreg $0xC0  }
0xac: {  	_ =	task [dreg:s8], $0x5FFFF  }
0xad: {  	[dreg:$0x1] =	wrdreg $0xFFFFFFFF  }
0xae: {  	[dreg:$0x0] =	wrdreg $0x60  }
0xaf: {  	[dreg:$0x2] =	wrdreg s18  }
0xb0: {  	[dreg:$0x3] =	wrdreg s2  }
0xb1: {  	[dreg:$0x4] =	wrdreg s24  }
0xb2: {  	[dreg:$0x5] =	wrdreg $0x9  }
0xb3: {  	_ =	task.clear_ibuf [dreg:s8], $0x6FFFF;
	_ =	strace $0x90000046  }
0xb4: {  	s29 =	simm.s32 $0x9;
	_ =	strace $0x80000048  }
0xb5: {  	_ =	swait.ge [sflag:s29], $0x1  }
0xb6: {  	[sflag:s29] =	ssyncadd.s32 $0xFFFFFFFF  }
0xb7: {  	_ =	strace $0x90000048  }
0xb8: {  	_ =	sfence  }
0xb9: {  	s30 =	sld [smem:$0x0];
	_ =	sdelay $0x2  }
0xba: {  	s31 =	sshll.u32 s1, $0xD;
	s1 =	sshrl.u32 s1, $0x2  }
0xbb: {  	s3 =	sand.u32 $0x4000, s31;
	s1 =	sadd.s32 s1, s30  }
0xbc: {  	s0 =	sor.u32 s3, s0;
	s1 =	sshll.u32 s1, $0x11  }
0xbd: {  	s0 =	sor.u32 s1, s0  }
0xbe: {  	s0 =	sadd.s32 $0x8F2B, s0  }
0xbf: {  	[sflag:s0] =	ssyncadd.remote.s32 $0x1  }
0xc0: {  	_ =	sfence.sel $0xFFFF  }
0xc1: {  	[dreg:$0x0] =	wrdreg $0xFFFFFFFF;
	(pc) =	sbr.abs _section_cstart, $3  }
0xc2: {  	[dreg:$0x1] =	wrdreg $0xFFFFFFFF  }
0xc3: {  	_ =	task.clear_ibuf [dreg:s8], $0x2FFFF;
	_ =	strace $0x9FFFFFFF  }
0xc4: {  	(tm) =	ssettm $0x7FFFFFFF  }
0xc5: {  	_ =	shalt  }
tec
execute0_lowered:
.L_overlay_start_1:
0x0: {  	(tag) =	ssettag $0x1  }
0x1: {  	s1 =	rddreg [dreg:$0x0]  }
0x2: {  	s2 =	rddreg [dreg:$0x1]  }
0x3: {  	s5 =	rddreg [dreg:$0x2]  }
0x4: {  	s0 =	rddreg [dreg:$0x3];
	s6 =	srdreg.scid  }
0x5: {  	s4 =	simm.s32 $0x0;
	s3 =	stileid.u32;
	s10 =	simm.s32 $0x3  }
0x6: {  	s11 =	simm.s32 $0x19700;
	s12 =	simm.s32 $0x1A700;
	s13 =	simm.s32 $0x1  }
0x7: {  	s14 =	simm.s32 $0x2;
	s15 =	simm.s32 $0x0;
	s6 =	sand.u32 $0x1, s6  }
0x8: {  	[smem:$0x7FF] =	sst s4;
	s8 =	sshll.u32 s3, $0x1;
	s7 =	ssub.s32 $0x2, s6  }
0x9: {  	s5 =	sadd.s32 $0x1E00, s5;
	_ =	strace $0x80000047;
	s9 =	sshrl.u32 s7, $0x1  }
0xa: {  	s6 =	sor.u32 s6, s8;
	s8 =	simm.s32 $0x80;
	s7 =	ssub.s32 s7, s9  }
0xb: {  	s6 =	smul.u32 $0x1A, s6;
	s9 =	simm.s32 $0x400;
	s7 =	smax.u32 s7, $0x1  }
.LBB2_1:
0xc: {  	s17 =	simm.s32 $0xFFFFFFFF;
	s16 =	simm.s32 $0x0  }
.LBB2_2:
0xd: {  	s18 =	sshll.u32 s16, $0x1  }
0xe: {  	s18 =	sadd.s32 s6, s18  }
0xf: {  	s19 =	smov.u32 s17;
	s17 =	sshrl.u32 s18, $0x5  }
0x10: {  	p0 =	seq.s32 s17, s19  }
0x11: {  	s19 =	sshll.u32 @!p0 s17, $0x4  }
0x12: {  	s20 =	sshll.u32 @!p0 s17, $0x9;
	s19 =	sand.u32 @!p0 $0x70, s19  }
0x13: {  	s21 =	simm.s32 @!p0 $0x400;
	s20 =	sand.u32 @!p0 $0xFFFF000, s20;
	s19 =	sadd.s32 @!p0 s2, s19  }
0x14: {  	s22 =	simm.s32 @!p0 $0x18700;
	s19 =	sadd.s32 @!p0 s20, s19;
	s20 =	simm.s32 @!p0 $0x80  }
0x15: {  	[tilespmem:s22], [sflag:$0x3] =	stream.strided.gather @!p0 [hbm4b:s19+s20], $0x1000, s21, s20, $0x38;
	[tilespmem:$0x1B700] =	vst v63  }
0x16: {  	s20 =	sshrl.u32 s18, $0x3  }
0x17: {  	s29 =	sshll.u32 s18, $0x7;
	s18 =	smul.u32 $0xC3800, s20  }
0x18: {  	s21 =	simm.s32 @!p0 $0x3;
	s19 =	sand.u32 $0x300, s29  }
0x19: {  	_ =	swait.ge @!p0 [sflag:s21], $0x1000;
	s30 =	sor.u32 s19, s18  }
0x1a: {  	[sflag:s21] =	ssyncset.done @!p0 $0x0;
	s22 =	sshrl.u32 s30, $0x3  }
0x1b: {  	[sflag:s21] =	ssyncadd.s32 @!p0 $0xFFFFF000;
	s31 =	sadd.s32 s1, s22  }
0x1c: {  	[tilespmem:s4], [sflag:$0x3] =	stream.strided.gather [hbm4b:s31+s8], $0x18700, s9, s8, $0x38;
	[tilespmem:$0x1B700] =	vst v63  }
0x1d: {  	_ =	swait.ge [sflag:s10], $0x18700  }
0x1e: {  	p0 =	seq.s32 s16, $0x0;
	[sflag:s10] =	ssyncset.done $0x0  }
0x1f: {  	s21 =	simm.s32 @!p0 $0x1;
	[sflag:s10] =	ssyncadd.s32 $0xFFFE7900  }
0x20: {  	_ =	swait.ge @!p0 [sflag:s21], $0x1000  }
0x21: {  	[sflag:s21] =	ssyncset.done @!p0 $0x0  }
0x22: {  	[sflag:s21] =	ssyncadd.s32 @!p0 $0xFFFFF000;
	s21 =	simm.s32 $0x0  }
0x23: {  	v0 =	vld [tilespmem:s21+$0x18700];
	_ =	sdelay $0x5  }
0x24: {  	v1 =	vld [tilespmem:s21+$0x18710];
	_ =	sdelay $0x1  }
0x25: {  	v0 =	vld.idx.msk [tilespmem:v0+s4+$0x0], $0xffff;
	_ =	sdelay $0x4  }
0x26: {  	v2 =	vld [tilespmem:s21+$0x18720];
	[tilespmem:s21+$0x19700] =	vst v0  }
0x27: {  	v0 =	vld.idx.msk [tilespmem:v1+s4+$0x0], $0xffff;
	_ =	sdelay $0x4  }
0x28: {  	[tilespmem:s21+$0x19710] =	vst v0;
	v0 =	vld [tilespmem:s21+$0x18730];
	_ =	sdelay $0x1  }
0x29: {  	v1 =	vld.idx.msk [tilespmem:v2+s4+$0x0], $0xffff;
	_ =	sdelay $0x3  }
0x2a: {  	s23 =	simm.s32 $0x40;
	s22 =	simm.s32 $0x200  }
.LBB2_3:
0x2b: {  	p1 =	sne.s32 s22, $0x3F00;
	v2 =	vld [tilespmem:s23+$0x18700];
	[tilespmem:s21+$0x19720] =	vst v1  }
0x2c: {  	v0 =	vld.idx.msk [tilespmem:v0+s4+$0x0], $0xffff;
	_ =	sdelay $0x5  }
0x2d: {  	v1 =	vld [tilespmem:s23+$0x18710];
	[tilespmem:s21+$0x19730] =	vst v0;
	s21 =	smov.u32 s23  }
0x2e: {  	v0 =	vld.idx.msk [tilespmem:v2+s4+$0x0], $0xffff;
	_ =	sdelay $0x5  }
0x2f: {  	[tilespmem:s21+$0x19700] =	vst v0;
	v2 =	vld [tilespmem:s21+$0x18720]  }
0x30: {  	v0 =	vld.idx.msk [tilespmem:v1+s4+$0x0], $0xffff;
	_ =	sdelay $0x5  }
0x31: {  	[tilespmem:s21+$0x19710] =	vst v0;
	v0 =	vld [tilespmem:s21+$0x18730]  }
0x32: {  	v1 =	vld.idx.msk [tilespmem:v2+s4+$0x0], $0xffff  }
.Ltmp0:
0x33: {  	(pc) =	sbr.rel @p1 .LBB2_3-.Ltmp0, $2  }
0x34: {  	_ =	sdelay $0x2  }
0x35: {  	s23 =	sshra.s32 s22, $0x2;
	s22 =	sadd.s32 $0x100, s22  }
0x36: {  	_ =	sdelay $0x1  }
0x37: {  	v2 =	vld [tilespmem:s23+$0x18700]  }
0x38: {  	[tilespmem:s21+$0x19720] =	vst v1  }
0x39: {  	v0 =	vld.idx.msk [tilespmem:v0+s4+$0x0], $0xffff;
	_ =	sdelay $0x3  }
0x3a: {  	v1 =	vld [tilespmem:s23+$0x18710]  }
0x3b: {  	[tilespmem:s21+$0x19730] =	vst v0  }
0x3c: {  	v0 =	vld.idx.msk [tilespmem:v2+s4+$0x0], $0xffff;
	_ =	sdelay $0x4  }
0x3d: {  	[tilespmem:s23+$0x19700] =	vst v0;
	v0 =	vld [tilespmem:s23+$0x18720]  }
0x3e: {  	v1 =	vld.idx.msk [tilespmem:v1+s4+$0x0], $0xffff;
	_ =	sdelay $0x4  }
0x3f: {  	[tilespmem:s23+$0x19710] =	vst v1;
	v1 =	vld [tilespmem:s23+$0x18730];
	_ =	sdelay $0x1  }
0x40: {  	v0 =	vld.idx.msk [tilespmem:v0+s4+$0x0], $0xffff;
	_ =	sdelay $0x4  }
0x41: {  	[tilespmem:s23+$0x19720] =	vst v0  }
0x42: {  	v0 =	vld.idx.msk [tilespmem:v1+s4+$0x0], $0xffff;
	_ =	sdelay $0x1  }
0x43: {  	s20 =	sshll.u32 s20, $0xF  }
0x44: {  	s31 =	sor.u32 s19, s20;
	s19 =	sor.u32 $0x80, s19  }
0x45: {  	s18 =	sor.u32 s18, s19;
	s21 =	sshrl.u32 s31, $0x3  }
0x46: {  	s18 =	sshrl.u32 s18, $0x3;
	s21 =	sadd.s32 s5, s21;
	[tilespmem:s23+$0x19730] =	vst v0  }
0x47: {  	[hbm4b:s21+s8] =	stream.strided.scatter [tilespmem:s11], [sflag:$0x1], $0x1000, s9, s8, $0x38;
	[tilespmem:$0x1B700] =	vst v63  }
0x48: {  	s18 =	sadd.s32 s1, s18  }
0x49: {  	[tilespmem:s4], [sflag:$0x3] =	stream.strided.gather [hbm4b:s18+s8], $0x18700, s9, s8, $0x38;
	[tilespmem:$0x1B700] =	vst v63  }
0x4a: {  	_ =	swait.ge [sflag:s10], $0x18700  }
0x4b: {  	[sflag:s10] =	ssyncset.done $0x0  }
0x4c: {  	s18 =	simm.s32 @!p0 $0x2;
	[sflag:s10] =	ssyncadd.s32 $0xFFFE7900  }
0x4d: {  	_ =	swait.ge @!p0 [sflag:s18], $0x1000  }
0x4e: {  	[sflag:s18] =	ssyncset.done @!p0 $0x0  }
0x4f: {  	[sflag:s18] =	ssyncadd.s32 @!p0 $0xFFFFF000;
	s18 =	simm.s32 $0x0  }
0x50: {  	v0 =	vld [tilespmem:s18+$0x18700];
	_ =	sdelay $0x5  }
0x51: {  	v1 =	vld [tilespmem:s18+$0x18710];
	_ =	sdelay $0x1  }
0x52: {  	v0 =	vld.idx.msk [tilespmem:v0+s4+$0x0], $0xffff;
	_ =	sdelay $0x4  }
0x53: {  	v2 =	vld [tilespmem:s18+$0x18720];
	[tilespmem:s18+$0x1A700] =	vst v0  }
0x54: {  	v0 =	vld.idx.msk [tilespmem:v1+s4+$0x0], $0xffff;
	_ =	sdelay $0x4  }
0x55: {  	[tilespmem:s18+$0x1A710] =	vst v0;
	v0 =	vld [tilespmem:s18+$0x18730];
	_ =	sdelay $0x1  }
0x56: {  	v1 =	vld.idx.msk [tilespmem:v2+s4+$0x0], $0xffff;
	_ =	sdelay $0x3  }
0x57: {  	s22 =	simm.s32 $0x40;
	s21 =	simm.s32 $0x200  }
.LBB2_5:
0x58: {  	p0 =	sne.s32 s21, $0x3F00;
	v2 =	vld [tilespmem:s22+$0x18700];
	[tilespmem:s18+$0x1A720] =	vst v1  }
0x59: {  	v0 =	vld.idx.msk [tilespmem:v0+s4+$0x0], $0xffff;
	_ =	sdelay $0x5  }
0x5a: {  	v1 =	vld [tilespmem:s22+$0x18710];
	[tilespmem:s18+$0x1A730] =	vst v0;
	s18 =	smov.u32 s22  }
0x5b: {  	v0 =	vld.idx.msk [tilespmem:v2+s4+$0x0], $0xffff;
	_ =	sdelay $0x5  }
0x5c: {  	[tilespmem:s18+$0x1A700] =	vst v0;
	v2 =	vld [tilespmem:s18+$0x18720]  }
0x5d: {  	v0 =	vld.idx.msk [tilespmem:v1+s4+$0x0], $0xffff;
	_ =	sdelay $0x5  }
0x5e: {  	[tilespmem:s18+$0x1A710] =	vst v0;
	v0 =	vld [tilespmem:s18+$0x18730]  }
0x5f: {  	v1 =	vld.idx.msk [tilespmem:v2+s4+$0x0], $0xffff  }
.Ltmp1:
0x60: {  	(pc) =	sbr.rel @p0 .LBB2_5-.Ltmp1, $2  }
0x61: {  	_ =	sdelay $0x2  }
0x62: {  	s22 =	sshra.s32 s21, $0x2;
	s21 =	sadd.s32 $0x100, s21  }
0x63: {  	_ =	sdelay $0x1  }
0x64: {  	v2 =	vld [tilespmem:s22+$0x18700]  }
0x65: {  	[tilespmem:s18+$0x1A720] =	vst v1  }
0x66: {  	v0 =	vld.idx.msk [tilespmem:v0+s4+$0x0], $0xffff;
	_ =	sdelay $0x3  }
0x67: {  	v1 =	vld [tilespmem:s22+$0x18710]  }
0x68: {  	[tilespmem:s18+$0x1A730] =	vst v0  }
0x69: {  	v0 =	vld.idx.msk [tilespmem:v2+s4+$0x0], $0xffff;
	_ =	sdelay $0x3  }
0x6a: {  	v62 =	vld [tilespmem:s22+$0x18720]  }
0x6b: {  	[tilespmem:s22+$0x1A700] =	vst v0  }
0x6c: {  	v1 =	vld.idx.msk [tilespmem:v1+s4+$0x0], $0xffff;
	_ =	sdelay $0x3  }
0x6d: {  	v63 =	vld [tilespmem:s22+$0x18730]  }
0x6e: {  	[tilespmem:s22+$0x1A710] =	vst v1  }
0x6f: {  	v0 =	vld.idx.msk [tilespmem:v62+s4+$0x0], $0xffff;
	_ =	sdelay $0x4  }
0x70: {  	[tilespmem:s22+$0x1A720] =	vst v0  }
0x71: {  	s16 =	sadd.s32 $0x1, s16;
	v0 =	vld.idx.msk [tilespmem:v63+s4+$0x0], $0xffff  }
0x72: {  	p0 =	sne.s32 s16, $0xD  }
.Ltmp2:
0x73: {  	_ = 	snop;
	(pc) =	sbr.rel @p0 .LBB2_2-.Ltmp2, $4  }
0x74: {  	s31 =	sor.u32 s20, s19  }
0x75: {  	s18 =	sshrl.u32 s31, $0x3  }
0x76: {  	s18 =	sadd.s32 s5, s18;
	[tilespmem:s22+$0x1A730] =	vst v0  }
0x77: {  	[hbm4b:s18+s8] =	stream.strided.scatter [tilespmem:s12], [sflag:$0x2], $0x1000, s9, s8, $0x38;
	[tilespmem:$0x1B700] =	vst v63  }
0x78: {  	s15 =	sadd.s32 $0x1, s15  }
0x79: {  	_ =	swait.ge [sflag:s13], $0x1000;
	p0 =	sne.s32 s15, s7  }
.Ltmp3:
0x7a: {  	[sflag:s13] =	ssyncset.done $0x0;
	(pc) =	sbr.rel @p0 .LBB2_1-.Ltmp3, $4  }
0x7b: {  	[sflag:s13] =	ssyncadd.s32 $0xFFFFF000  }
0x7c: {  	_ =	swait.ge [sflag:s14], $0x1000  }
0x7d: {  	[sflag:s14] =	ssyncset.done $0x0  }
0x7e: {  	[sflag:s14] =	ssyncadd.s32 $0xFFFFF000  }
0x7f: {  	_ =	sfence.sel $0x180000  }
0x80: {  	[bflag:$0x0] =	sbarrier.arrive $0xFFFF  }
0x81: {  	p0 =	sne.s32 s3, $0x0;
	_ =	strace $0x90000047  }
0x82: {  	s0 =	sadd.s32 @!p0 $0x100000, s0;
	[bflag:$0x2] =	sbarrier.arrive $0xFFFF  }
0x83: {  	[sflag:s0] =	ssyncadd.tile.s32 @!p0 $0x1;
	_ =	shalt  }
.Lfunc_end2:
_tile_overlayer_lowered:
.L_overlay_start_2:
0x84: {  	(tag) =	ssettag $0x2  }
0x85: {  	s0 =	rddreg [dreg:$0x0];
	s2 =	stileid.u32  }
0x86: {  	s1 =	rddreg [dreg:$0x1];
	p0 =	sne.s32 s2, $0x0  }
0x87: {  	s3 =	rddreg [dreg:$0x2];
	[bflag:$0x3] =	sbarrier.arrive $0xFFFF;
	s2 =	simm.s32 @!p0 $0x1C03  }
0x88: {  	[timem:s3], [sflag:s2] =	dma.local @!p0 [hbm:s0], s1  }
0x89: {  	s0 =	simm.s32 @!p0 $0x3  }
0x8a: {  	_ =	swait.ge @!p0 [sflag:s0], s1  }
0x8b: {  	s1 =	ssub.s32 @!p0 $0x0, s1;
	[sflag:s0] =	ssyncset.done @!p0 $0x0  }
0x8c: {  	[sflag:s0] =	ssyncadd.s32 @!p0 s1  }
0x8d: {  	[bflag:$0x3] =	sbarrier.arrive $0xFFFF  }
0x8e: {  	_ =	shalt  }

</sc_bundles>
